<compile_context>
chip_gen: v7x
topology: tpu7x:2x2x1
jax: 0.10.2.dev20260603
libtpu: 0.0.44.dev20260713+nightly
codegen_flags: <defaults>
</compile_context>

<pallas_src>
import functools

import jax
import jax.numpy as jnp
from jax import lax
from jax.experimental import pallas as pl
from jax.experimental.pallas import tpu as pltpu
from jax.experimental.pallas import tpu_sc as plsc

SCALE = 8.0
C = 100


@functools.cache
def _build(B0, S, V, D):
    info = plsc.get_sparse_core_info()
    NC, NS, L = info.num_cores, info.num_subcores, info.num_lanes
    NW = NC * NS
    assert S == 2 * C and B0 % (2 * NW) == 0
    rows_per_w = B0 // NW
    n_chunks = 2 * rows_per_w
    n_grp = rows_per_w // 2

    mesh = plsc.VectorSubcoreMesh(core_axis_name="c", subcore_axis_name="s")

    n_q = n_chunks // 64
    scratch = (
        [pltpu.VMEM((64, C), jnp.int32) for _ in range(2)]
        + [pltpu.VMEM((C, 2 * D), jnp.float32) for _ in range(4)]
        + [pltpu.VMEM((S, D), jnp.float32) for _ in range(2)]
        + [pltpu.SemaphoreType.DMA for _ in range(6)]
    )

    @functools.partial(
        pl.kernel,
        mesh=mesh,
        out_type=jax.ShapeDtypeStruct((B0, S, D), jnp.float32),
        scratch_types=scratch,
    )
    def emb(
        idx_hbm, table_hbm, out_hbm, iq0, iq1, g0, g1, g2, g3,
        o0, o1, gs0, gs1, gs2, gs3, os0, os1,
    ):
        idxq = [iq0, iq1]
        rows_g = [g0, g1, g2, g3]
        rows_o = [o0, o1]
        gsem = [gs0, gs1, gs2, gs3]
        osem = [os0, os1]

        wid = lax.axis_index("s") * NC + lax.axis_index("c")
        crow0 = wid * n_chunks
        orow0 = wid * rows_per_w

        def stage_quarter(k):
            @pl.when(k % 2 == 0)
            def _():
                pltpu.sync_copy(idx_hbm.at[pl.ds(crow0 + 64 * k, 64)], idxq[0])

            @pl.when(k % 2 == 1)
            def _():
                pltpu.sync_copy(idx_hbm.at[pl.ds(crow0 + 64 * k, 64)], idxq[1])

        stage_quarter(0)

        def start_gather(b, c):
            @pl.when((c // 64) % 2 == 0)
            def _():
                pltpu.async_copy(
                    table_hbm.at[idxq[0].at[c % 64]], rows_g[b], gsem[b]
                )

            @pl.when((c // 64) % 2 == 1)
            def _():
                pltpu.async_copy(
                    table_hbm.at[idxq[1].at[c % 64]], rows_g[b], gsem[b]
                )

        for b in range(4):
            start_gather(b, b)

        def grp_body(gi, carry):
            @pl.when(((gi + 2) % 16 == 0) & (gi + 2 < 16 * n_q))
            def _():
                stage_quarter((gi + 2) // 16)

            for lq in range(2):
                q = gi * 2 + lq
                @pl.when(gi >= 1)
                def _():
                    pltpu.make_async_copy(
                        rows_o[lq], out_hbm.at[orow0 + q], osem[lq]
                    ).wait()

                for h in range(2):
                    b = 2 * lq + h
                    pltpu.make_async_copy(
                        table_hbm.at[idxq[0].at[0]], rows_g[b], gsem[b]
                    ).wait()

                    def scale_body(r4, c, b=b, h=h, lq=lq):
                        for rr in range(4):
                            r = r4 * 4 + rr
                            for j in range(D // L):
                                rows_o[lq][h * C + r, pl.ds(j * L, L)] = (
                                    rows_g[b][r, pl.ds(j * L, L)] * SCALE
                                )
                        return c

                    lax.fori_loop(0, C // 4, scale_body, 0)

                    @pl.when(gi < n_grp - 1)
                    def _():
                        start_gather(b, 4 * (gi + 1) + b)

                pltpu.async_copy(rows_o[lq], out_hbm.at[orow0 + q], osem[lq])

            return carry

        lax.fori_loop(0, n_grp, grp_body, 0)

        for lq in range(2):
            q = rows_per_w - 2 + lq
            pltpu.make_async_copy(
                rows_o[lq], out_hbm.at[orow0 + q], osem[lq]
            ).wait()

    return emb


def kernel(inputs, table):
    B0, S = inputs.shape
    V, D = table.shape
    idx = inputs.reshape(B0 * S // C, C).astype(jnp.int32)
    t128 = jnp.pad(table, ((0, 0), (0, D)))
    return _build(B0, S, V, D)(idx, t128)

# --- scband reference (transcript-rebuilt; emitter-appended) ---
"""Pipeline reference for scband-embedding-10780367913809 (READ-ONLY COPY).

The authoritative reference and input builder live on the scoring server;
editing this copy changes nothing except your own understanding.
"""

import math
import jax, jax.numpy as jnp
import numpy as np

VOCAB = 1000000
EMBED_DIM = 64
PAD_IDX = 0

def setup_inputs(seed: int = 0) -> dict:
    key = jax.random.key(seed)
    k_idx, k_tab = jax.random.split(key)
    inputs = jax.random.randint(k_idx, (4096, 200), 0, VOCAB, dtype=jnp.int64 if jax.config.jax_enable_x64 else jnp.int32)
    table = jax.random.normal(k_tab, (VOCAB, EMBED_DIM), dtype=jnp.float32)
    # pad_idx row is zero, as nn.Embedding initializes padding_idx row to zeros
    table = table.at[PAD_IDX].set(0.0)
    return {"inputs": inputs, "table": table}

def reference(inputs, table):
    # nn.Embedding lookup with padding_idx (row already zeroed), then scale by sqrt(embed_dim).
    # Dropout is identity in eval mode.
    emb = jnp.take(table, inputs, axis=0)
    out = emb * math.sqrt(EMBED_DIM)
    return out

if __name__ == "__main__":
    import jax
    _d = setup_inputs()
    print(jax.jit(kernel)(*tuple(_d.values())))

</pallas_src>

<mosaic_0001>
#map = affine_map<(d0, d1) -> (0, 0)>
#map1 = affine_map<(d0, d1) -> (0, 0, 0)>
module attributes {stable_mosaic.version = 14 : i64} {
  func.func @emb(%arg0: i32, %arg1: i32, %arg2: memref<8192x100xi32, #tpu.memory_space<hbm>>, %arg3: memref<1000000x128xf32, #tpu.memory_space<hbm>>, %arg4: memref<4096x200x64xf32, #tpu.memory_space<hbm>>, %arg5: memref<64x100xi32, #tpu.memory_space<vmem>>, %arg6: memref<64x100xi32, #tpu.memory_space<vmem>>, %arg7: memref<100x128xf32, #tpu.memory_space<vmem>>, %arg8: memref<100x128xf32, #tpu.memory_space<vmem>>, %arg9: memref<100x128xf32, #tpu.memory_space<vmem>>, %arg10: memref<100x128xf32, #tpu.memory_space<vmem>>, %arg11: memref<200x64xf32, #tpu.memory_space<vmem>>, %arg12: memref<200x64xf32, #tpu.memory_space<vmem>>, %arg13: memref<!tpu.dma_semaphore, #tpu.memory_space<semaphore_mem>>, %arg14: memref<!tpu.dma_semaphore, #tpu.memory_space<semaphore_mem>>, %arg15: memref<!tpu.dma_semaphore, #tpu.memory_space<semaphore_mem>>, %arg16: memref<!tpu.dma_semaphore, #tpu.memory_space<semaphore_mem>>, %arg17: memref<!tpu.dma_semaphore, #tpu.memory_space<semaphore_mem>>, %arg18: memref<!tpu.dma_semaphore, #tpu.memory_space<semaphore_mem>>) attributes {dimension_semantics = [#tpu.dimension_semantics<core_parallel>, #tpu.dimension_semantics<subcore_parallel>], iteration_bounds = array<i64: 2, 16>, scalar_prefetch = 0 : i64, scratch_operands = 14 : i64, tpu.core_type = #tpu.core_type<sc_vector_subcore>, window_params = [{transform_indices = #map}, {transform_indices = #map}, {transform_indices = #map1}]} {
    %mul3A = arith.constant 2 : i32
    %mul3A_0 = arith.muli %arg1, %mul3A : i32
    %add3A = arith.addi %mul3A_0, %arg0 : i32
    %mul3A_1 = arith.constant 256 : i32
    %mul3A_2 = arith.muli %add3A, %mul3A_1 : i32
    %mul3A_3 = arith.constant 128 : i32
    %mul3A_4 = arith.muli %add3A, %mul3A_3 : i32
    %add3A_5 = arith.constant 0 : i32
    %add3A_6 = arith.addi %mul3A_2, %add3A_5 : i32
    "tpu.region"() ({
      %run_scoped3A = tpu.sem_alloc : memref<!tpu.dma_semaphore, #tpu.memory_space<semaphore_mem>>
      %dma_start3A_58 = arith.constant 0 : i32
      %dma_start3A_59 = tpu.memref_slice %arg2[%add3A_6, %dma_start3A_58] : memref<8192x100xi32, #tpu.memory_space<hbm>> -> memref<64x100xi32, #tpu.memory_space<hbm>>
      %dma_start3A_60 = arith.constant 0 : i32
      %dma_start3A_61 = tpu.memref_slice %arg2[%add3A_6, %dma_start3A_60] : memref<8192x100xi32, #tpu.memory_space<hbm>> -> memref<64x100xi32, #tpu.memory_space<hbm>>
      tpu.enqueue_dma source(%dma_start3A_61 : memref<64x100xi32, #tpu.memory_space<hbm>>) target(%arg5 : memref<64x100xi32, #tpu.memory_space<vmem>>) target_semaphore(%run_scoped3A : memref<!tpu.dma_semaphore, #tpu.memory_space<semaphore_mem>>)
      %dma_wait3A_62 = arith.constant 0 : i32
      %dma_wait3A_63 = tpu.memref_slice %arg2[%add3A_6, %dma_wait3A_62] : memref<8192x100xi32, #tpu.memory_space<hbm>> -> memref<64x100xi32, #tpu.memory_space<hbm>>
      %dma_wait3A_64 = arith.constant 0 : i32
      %dma_wait3A_65 = tpu.memref_slice %arg2[%add3A_6, %dma_wait3A_64] : memref<8192x100xi32, #tpu.memory_space<hbm>> -> memref<64x100xi32, #tpu.memory_space<hbm>>
      tpu.wait_dma2 semaphore(%run_scoped3A : memref<!tpu.dma_semaphore, #tpu.memory_space<semaphore_mem>>) src(%dma_wait3A_65 : memref<64x100xi32, #tpu.memory_space<hbm>>) dst(%arg5 : memref<64x100xi32, #tpu.memory_space<vmem>>)
      tpu.yield
    }) : () -> ()
    %dma_start3A = arith.constant 0 : i32
    %dma_start3A_7 = arith.constant 0 : i32
    %dma_start3A_8 = tpu.memref_slice %arg5[%dma_start3A, %dma_start3A_7] : memref<64x100xi32, #tpu.memory_space<vmem>> -> memref<1x100xi32, #tpu.memory_space<vmem>>
    %dma_start3A_9 = tpu.memref_squeeze %dma_start3A_8 : memref<1x100xi32, #tpu.memory_space<vmem>> -> memref<100xi32, #tpu.memory_space<vmem>>
    %dma_start3A_10 = arith.constant 0 : i32
    %dma_start3A_11 = arith.constant 0 : i32
    %dma_start3A_12 = tpu.memref_slice %arg3[%dma_start3A_10, %dma_start3A_11] : memref<1000000x128xf32, #tpu.memory_space<hbm>> -> memref<1000000x128xf32, #tpu.memory_space<hbm>>
    tpu.enqueue_indirect_dma source(%dma_start3A_12 : memref<1000000x128xf32, #tpu.memory_space<hbm>>) target(%arg7 : memref<100x128xf32, #tpu.memory_space<vmem>>) offsets(%dma_start3A_9 : memref<100xi32, #tpu.memory_space<vmem>>) semaphore(%arg13 : memref<!tpu.dma_semaphore, #tpu.memory_space<semaphore_mem>>)
    %dma_start3A_13 = arith.constant 1 : i32
    %dma_start3A_14 = arith.constant 0 : i32
    %dma_start3A_15 = tpu.memref_slice %arg5[%dma_start3A_13, %dma_start3A_14] : memref<64x100xi32, #tpu.memory_space<vmem>> -> memref<1x100xi32, #tpu.memory_space<vmem>>
    %dma_start3A_16 = tpu.memref_squeeze %dma_start3A_15 : memref<1x100xi32, #tpu.memory_space<vmem>> -> memref<100xi32, #tpu.memory_space<vmem>>
    %dma_start3A_17 = arith.constant 0 : i32
    %dma_start3A_18 = arith.constant 0 : i32
    %dma_start3A_19 = tpu.memref_slice %arg3[%dma_start3A_17, %dma_start3A_18] : memref<1000000x128xf32, #tpu.memory_space<hbm>> -> memref<1000000x128xf32, #tpu.memory_space<hbm>>
    tpu.enqueue_indirect_dma source(%dma_start3A_19 : memref<1000000x128xf32, #tpu.memory_space<hbm>>) target(%arg8 : memref<100x128xf32, #tpu.memory_space<vmem>>) offsets(%dma_start3A_16 : memref<100xi32, #tpu.memory_space<vmem>>) semaphore(%arg14 : memref<!tpu.dma_semaphore, #tpu.memory_space<semaphore_mem>>)
    %dma_start3A_20 = arith.constant 2 : i32
    %dma_start3A_21 = arith.constant 0 : i32
    %dma_start3A_22 = tpu.memref_slice %arg5[%dma_start3A_20, %dma_start3A_21] : memref<64x100xi32, #tpu.memory_space<vmem>> -> memref<1x100xi32, #tpu.memory_space<vmem>>
    %dma_start3A_23 = tpu.memref_squeeze %dma_start3A_22 : memref<1x100xi32, #tpu.memory_space<vmem>> -> memref<100xi32, #tpu.memory_space<vmem>>
    %dma_start3A_24 = arith.constant 0 : i32
    %dma_start3A_25 = arith.constant 0 : i32
    %dma_start3A_26 = tpu.memref_slice %arg3[%dma_start3A_24, %dma_start3A_25] : memref<1000000x128xf32, #tpu.memory_space<hbm>> -> memref<1000000x128xf32, #tpu.memory_space<hbm>>
    tpu.enqueue_indirect_dma source(%dma_start3A_26 : memref<1000000x128xf32, #tpu.memory_space<hbm>>) target(%arg9 : memref<100x128xf32, #tpu.memory_space<vmem>>) offsets(%dma_start3A_23 : memref<100xi32, #tpu.memory_space<vmem>>) semaphore(%arg15 : memref<!tpu.dma_semaphore, #tpu.memory_space<semaphore_mem>>)
    %dma_start3A_27 = arith.constant 3 : i32
    %dma_start3A_28 = arith.constant 0 : i32
    %dma_start3A_29 = tpu.memref_slice %arg5[%dma_start3A_27, %dma_start3A_28] : memref<64x100xi32, #tpu.memory_space<vmem>> -> memref<1x100xi32, #tpu.memory_space<vmem>>
    %dma_start3A_30 = tpu.memref_squeeze %dma_start3A_29 : memref<1x100xi32, #tpu.memory_space<vmem>> -> memref<100xi32, #tpu.memory_space<vmem>>
    %dma_start3A_31 = arith.constant 0 : i32
    %dma_start3A_32 = arith.constant 0 : i32
    %dma_start3A_33 = tpu.memref_slice %arg3[%dma_start3A_31, %dma_start3A_32] : memref<1000000x128xf32, #tpu.memory_space<hbm>> -> memref<1000000x128xf32, #tpu.memory_space<hbm>>
    tpu.enqueue_indirect_dma source(%dma_start3A_33 : memref<1000000x128xf32, #tpu.memory_space<hbm>>) target(%arg10 : memref<100x128xf32, #tpu.memory_space<vmem>>) offsets(%dma_start3A_30 : memref<100xi32, #tpu.memory_space<vmem>>) semaphore(%arg16 : memref<!tpu.dma_semaphore, #tpu.memory_space<semaphore_mem>>)
    %scan3A = arith.constant 0 : i32
    %scan3A_34 = arith.constant 0 : i32
    %scan3A_35 = arith.constant 64 : i32
    %scan3A_36 = arith.addi %scan3A_34, %scan3A_35 : i32
    %scan3A_37 = arith.constant 1 : i32
    scf.for %scan3A_58 = %scan3A_34 to %scan3A_36 step %scan3A_37  : i32 {
      %add3A_59 = arith.constant 2 : i32
      %add3A_60 = arith.addi %scan3A_58, %add3A_59 : i32
      %jit3A = arith.constant 16 : i32
      %eq3A = arith.constant 0 : i32
      %eq3A_61 = arith.cmpi eq, %jit3A, %eq3A : i32
      %jit3A_62 = arith.constant 1 : i32
      %select_n3A = arith.select %eq3A_61, %jit3A_62, %jit3A : i32
      %rem3A = arith.remsi %add3A_60, %select_n3A : i32
      %ne3A = arith.constant 0 : i32
      %ne3A_63 = arith.cmpi ne, %rem3A, %ne3A : i32
      %lt3A = arith.constant 0 : i32
      %lt3A_64 = arith.cmpi slt, %rem3A, %lt3A : i32
      %lt3A_65 = arith.constant 0 : i32
      %lt3A_66 = arith.cmpi slt, %select_n3A, %lt3A_65 : i32
      %ne3A_67 = arith.xori %lt3A_64, %lt3A_66 : i1
      %and3A = arith.andi %ne3A_67, %ne3A_63 : i1
      %add3A_68 = arith.addi %rem3A, %select_n3A : i32
      %select_n3A_69 = arith.select %and3A, %add3A_68, %rem3A : i32
      %eq3A_70 = arith.constant 0 : i32
      %eq3A_71 = arith.cmpi eq, %select_n3A_69, %eq3A_70 : i32
      %add3A_72 = arith.constant 2 : i32
      %add3A_73 = arith.addi %scan3A_58, %add3A_72 : i32
      %lt3A_74 = arith.constant 64 : i32
      %lt3A_75 = arith.cmpi slt, %add3A_73, %lt3A_74 : i32
      %and3A_76 = arith.andi %eq3A_71, %lt3A_75 : i1
      %convert_element_type3A = arith.extui %and3A_76 : i1 to i32
      %cond3A = arith.constant 0 : i32
      %cond3A_77 = arith.cmpi ne, %convert_element_type3A, %cond3A : i32
      scf.if %cond3A_77 {
        %add3A_185 = arith.constant 2 : i32
        %add3A_186 = arith.addi %scan3A_58, %add3A_185 : i32
        %jit3A_187 = arith.constant 16 : i32
        %div3A = arith.divsi %add3A_186, %jit3A_187 : i32
        %sign3A = arith.constant 0 : i32
        %sign3A_188 = arith.cmpi sgt, %add3A_186, %sign3A : i32
        %sign3A_189 = arith.extui %sign3A_188 : i1 to i32
        %sign3A_190 = arith.constant 0 : i32
        %sign3A_191 = arith.cmpi slt, %add3A_186, %sign3A_190 : i32
        %sign3A_192 = arith.extui %sign3A_191 : i1 to i32
        %sign3A_193 = arith.subi %sign3A_189, %sign3A_192 : i32
        %sign3A_194 = arith.constant 0 : i32
        %sign3A_195 = arith.cmpi sgt, %jit3A_187, %sign3A_194 : i32
        %sign3A_196 = arith.extui %sign3A_195 : i1 to i32
        %sign3A_197 = arith.constant 0 : i32
        %sign3A_198 = arith.cmpi slt, %jit3A_187, %sign3A_197 : i32
        %sign3A_199 = arith.extui %sign3A_198 : i1 to i32
        %sign3A_200 = arith.subi %sign3A_196, %sign3A_199 : i32
        %ne3A_201 = arith.cmpi ne, %sign3A_193, %sign3A_200 : i32
        %rem3A_202 = arith.remsi %add3A_186, %jit3A_187 : i32
        %ne3A_203 = arith.constant 0 : i32
        %ne3A_204 = arith.cmpi ne, %rem3A_202, %ne3A_203 : i32
        %and3A_205 = arith.andi %ne3A_201, %ne3A_204 : i1
        %sub3A = arith.constant 1 : i32
        %sub3A_206 = arith.subi %div3A, %sub3A : i32
        %select_n3A_207 = arith.select %and3A_205, %sub3A_206, %div3A : i32
        %jit3A_208 = arith.constant 2 : i32
        %eq3A_209 = arith.constant 0 : i32
        %eq3A_210 = arith.cmpi eq, %jit3A_208, %eq3A_209 : i32
        %jit3A_211 = arith.constant 1 : i32
        %select_n3A_212 = arith.select %eq3A_210, %jit3A_211, %jit3A_208 : i32
        %rem3A_213 = arith.remsi %select_n3A_207, %select_n3A_212 : i32
        %ne3A_214 = arith.constant 0 : i32
        %ne3A_215 = arith.cmpi ne, %rem3A_213, %ne3A_214 : i32
        %lt3A_216 = arith.constant 0 : i32
        %lt3A_217 = arith.cmpi slt, %rem3A_213, %lt3A_216 : i32
        %lt3A_218 = arith.constant 0 : i32
        %lt3A_219 = arith.cmpi slt, %select_n3A_212, %lt3A_218 : i32
        %ne3A_220 = arith.xori %lt3A_217, %lt3A_219 : i1
        %and3A_221 = arith.andi %ne3A_220, %ne3A_215 : i1
        %add3A_222 = arith.addi %rem3A_213, %select_n3A_212 : i32
        %select_n3A_223 = arith.select %and3A_221, %add3A_222, %rem3A_213 : i32
        %eq3A_224 = arith.constant 0 : i32
        %eq3A_225 = arith.cmpi eq, %select_n3A_223, %eq3A_224 : i32
        %convert_element_type3A_226 = arith.extui %eq3A_225 : i1 to i32
        %cond3A_227 = arith.constant 0 : i32
        %cond3A_228 = arith.cmpi ne, %convert_element_type3A_226, %cond3A_227 : i32
        scf.if %cond3A_228 {
          %mul3A_250 = arith.constant 64 : i32
          %mul3A_251 = arith.muli %mul3A_250, %select_n3A_207 : i32
          %add3A_252 = arith.addi %mul3A_2, %mul3A_251 : i32
          "tpu.region"() ({
            %run_scoped3A = tpu.sem_alloc : memref<!tpu.dma_semaphore, #tpu.memory_space<semaphore_mem>>
            %dma_start3A_253 = arith.constant 0 : i32
            %dma_start3A_254 = tpu.memref_slice %arg2[%add3A_252, %dma_start3A_253] : memref<8192x100xi32, #tpu.memory_space<hbm>> -> memref<64x100xi32, #tpu.memory_space<hbm>>
            %dma_start3A_255 = arith.constant 0 : i32
            %dma_start3A_256 = tpu.memref_slice %arg2[%add3A_252, %dma_start3A_255] : memref<8192x100xi32, #tpu.memory_space<hbm>> -> memref<64x100xi32, #tpu.memory_space<hbm>>
            tpu.enqueue_dma source(%dma_start3A_256 : memref<64x100xi32, #tpu.memory_space<hbm>>) target(%arg5 : memref<64x100xi32, #tpu.memory_space<vmem>>) target_semaphore(%run_scoped3A : memref<!tpu.dma_semaphore, #tpu.memory_space<semaphore_mem>>)
            %dma_wait3A_257 = arith.constant 0 : i32
            %dma_wait3A_258 = tpu.memref_slice %arg2[%add3A_252, %dma_wait3A_257] : memref<8192x100xi32, #tpu.memory_space<hbm>> -> memref<64x100xi32, #tpu.memory_space<hbm>>
            %dma_wait3A_259 = arith.constant 0 : i32
            %dma_wait3A_260 = tpu.memref_slice %arg2[%add3A_252, %dma_wait3A_259] : memref<8192x100xi32, #tpu.memory_space<hbm>> -> memref<64x100xi32, #tpu.memory_space<hbm>>
            tpu.wait_dma2 semaphore(%run_scoped3A : memref<!tpu.dma_semaphore, #tpu.memory_space<semaphore_mem>>) src(%dma_wait3A_260 : memref<64x100xi32, #tpu.memory_space<hbm>>) dst(%arg5 : memref<64x100xi32, #tpu.memory_space<vmem>>)
            tpu.yield
          }) : () -> ()
        } else {
        }
        %jit3A_229 = arith.constant 2 : i32
        %eq3A_230 = arith.constant 0 : i32
        %eq3A_231 = arith.cmpi eq, %jit3A_229, %eq3A_230 : i32
        %jit3A_232 = arith.constant 1 : i32
        %select_n3A_233 = arith.select %eq3A_231, %jit3A_232, %jit3A_229 : i32
        %rem3A_234 = arith.remsi %select_n3A_207, %select_n3A_233 : i32
        %ne3A_235 = arith.constant 0 : i32
        %ne3A_236 = arith.cmpi ne, %rem3A_234, %ne3A_235 : i32
        %lt3A_237 = arith.constant 0 : i32
        %lt3A_238 = arith.cmpi slt, %rem3A_234, %lt3A_237 : i32
        %lt3A_239 = arith.constant 0 : i32
        %lt3A_240 = arith.cmpi slt, %select_n3A_233, %lt3A_239 : i32
        %ne3A_241 = arith.xori %lt3A_238, %lt3A_240 : i1
        %and3A_242 = arith.andi %ne3A_241, %ne3A_236 : i1
        %add3A_243 = arith.addi %rem3A_234, %select_n3A_233 : i32
        %select_n3A_244 = arith.select %and3A_242, %add3A_243, %rem3A_234 : i32
        %eq3A_245 = arith.constant 1 : i32
        %eq3A_246 = arith.cmpi eq, %select_n3A_244, %eq3A_245 : i32
        %convert_element_type3A_247 = arith.extui %eq3A_246 : i1 to i32
        %cond3A_248 = arith.constant 0 : i32
        %cond3A_249 = arith.cmpi ne, %convert_element_type3A_247, %cond3A_248 : i32
        scf.if %cond3A_249 {
          %mul3A_250 = arith.constant 64 : i32
          %mul3A_251 = arith.muli %mul3A_250, %select_n3A_207 : i32
          %add3A_252 = arith.addi %mul3A_2, %mul3A_251 : i32
          "tpu.region"() ({
            %run_scoped3A = tpu.sem_alloc : memref<!tpu.dma_semaphore, #tpu.memory_space<semaphore_mem>>
            %dma_start3A_253 = arith.constant 0 : i32
            %dma_start3A_254 = tpu.memref_slice %arg2[%add3A_252, %dma_start3A_253] : memref<8192x100xi32, #tpu.memory_space<hbm>> -> memref<64x100xi32, #tpu.memory_space<hbm>>
            %dma_start3A_255 = arith.constant 0 : i32
            %dma_start3A_256 = tpu.memref_slice %arg2[%add3A_252, %dma_start3A_255] : memref<8192x100xi32, #tpu.memory_space<hbm>> -> memref<64x100xi32, #tpu.memory_space<hbm>>
            tpu.enqueue_dma source(%dma_start3A_256 : memref<64x100xi32, #tpu.memory_space<hbm>>) target(%arg6 : memref<64x100xi32, #tpu.memory_space<vmem>>) target_semaphore(%run_scoped3A : memref<!tpu.dma_semaphore, #tpu.memory_space<semaphore_mem>>)
            %dma_wait3A_257 = arith.constant 0 : i32
            %dma_wait3A_258 = tpu.memref_slice %arg2[%add3A_252, %dma_wait3A_257] : memref<8192x100xi32, #tpu.memory_space<hbm>> -> memref<64x100xi32, #tpu.memory_space<hbm>>
            %dma_wait3A_259 = arith.constant 0 : i32
            %dma_wait3A_260 = tpu.memref_slice %arg2[%add3A_252, %dma_wait3A_259] : memref<8192x100xi32, #tpu.memory_space<hbm>> -> memref<64x100xi32, #tpu.memory_space<hbm>>
            tpu.wait_dma2 semaphore(%run_scoped3A : memref<!tpu.dma_semaphore, #tpu.memory_space<semaphore_mem>>) src(%dma_wait3A_260 : memref<64x100xi32, #tpu.memory_space<hbm>>) dst(%arg6 : memref<64x100xi32, #tpu.memory_space<vmem>>)
            tpu.yield
          }) : () -> ()
        } else {
        }
      } else {
      }
      %mul3A_78 = arith.constant 2 : i32
      %mul3A_79 = arith.muli %scan3A_58, %mul3A_78 : i32
      %add3A_80 = arith.constant 0 : i32
      %add3A_81 = arith.addi %mul3A_79, %add3A_80 : i32
      %ge3A = arith.constant 1 : i32
      %ge3A_82 = arith.cmpi sge, %scan3A_58, %ge3A : i32
      %convert_element_type3A_83 = arith.extui %ge3A_82 : i1 to i32
      %cond3A_84 = arith.constant 0 : i32
      %cond3A_85 = arith.cmpi ne, %convert_element_type3A_83, %cond3A_84 : i32
      scf.if %cond3A_85 {
        %add3A_185 = arith.addi %mul3A_4, %add3A_81 : i32
        %dma_wait3A_186 = arith.constant 0 : i32
        %dma_wait3A_187 = arith.constant 0 : i32
        %dma_wait3A_188 = tpu.memref_slice %arg4[%add3A_185, %dma_wait3A_186, %dma_wait3A_187] : memref<4096x200x64xf32, #tpu.memory_space<hbm>> -> memref<1x200x64xf32, #tpu.memory_space<hbm>>
        %dma_wait3A_189 = tpu.memref_squeeze %dma_wait3A_188 : memref<1x200x64xf32, #tpu.memory_space<hbm>> -> memref<200x64xf32, #tpu.memory_space<hbm>>
        %dma_wait3A_190 = arith.constant 0 : i32
        %dma_wait3A_191 = arith.constant 0 : i32
        %dma_wait3A_192 = tpu.memref_slice %arg4[%add3A_185, %dma_wait3A_190, %dma_wait3A_191] : memref<4096x200x64xf32, #tpu.memory_space<hbm>> -> memref<1x200x64xf32, #tpu.memory_space<hbm>>
        %dma_wait3A_193 = tpu.memref_squeeze %dma_wait3A_192 : memref<1x200x64xf32, #tpu.memory_space<hbm>> -> memref<200x64xf32, #tpu.memory_space<hbm>>
        tpu.wait_dma2 semaphore(%arg17 : memref<!tpu.dma_semaphore, #tpu.memory_space<semaphore_mem>>) src(%arg11 : memref<200x64xf32, #tpu.memory_space<vmem>>) dst(%dma_wait3A_193 : memref<200x64xf32, #tpu.memory_space<hbm>>)
      } else {
      }
      %dma_wait3A_86 = arith.constant 0 : i32
      %dma_wait3A_87 = arith.constant 0 : i32
      %dma_wait3A_88 = tpu.memref_slice %arg5[%dma_wait3A_86, %dma_wait3A_87] : memref<64x100xi32, #tpu.memory_space<vmem>> -> memref<1x100xi32, #tpu.memory_space<vmem>>
      %dma_wait3A_89 = tpu.memref_squeeze %dma_wait3A_88 : memref<1x100xi32, #tpu.memory_space<vmem>> -> memref<100xi32, #tpu.memory_space<vmem>>
      %dma_wait3A_90 = arith.constant 0 : i32
      %dma_wait3A_91 = arith.constant 0 : i32
      %dma_wait3A_92 = tpu.memref_slice %arg3[%dma_wait3A_90, %dma_wait3A_91] : memref<1000000x128xf32, #tpu.memory_space<hbm>> -> memref<1000000x128xf32, #tpu.memory_space<hbm>>
      tpu.wait_indirect_dma semaphore(%arg13 : memref<!tpu.dma_semaphore, #tpu.memory_space<semaphore_mem>>) src(%dma_wait3A_92 : memref<1000000x128xf32, #tpu.memory_space<hbm>>) dst(%arg7 : memref<100x128xf32, #tpu.memory_space<vmem>>)
      %scan3A_93 = arith.constant 0 : i32
      %scan3A_94 = arith.constant 0 : i32
      %scan3A_95 = arith.constant 25 : i32
      %scan3A_96 = arith.addi %scan3A_94, %scan3A_95 : i32
      %scan3A_97 = arith.constant 1 : i32
      scf.for %scan3A_185 = %scan3A_94 to %scan3A_96 step %scan3A_97  : i32 {
        %mul3A_186 = arith.constant 4 : i32
        %mul3A_187 = arith.muli %scan3A_185, %mul3A_186 : i32
        %add3A_188 = arith.constant 0 : i32
        %add3A_189 = arith.addi %mul3A_187, %add3A_188 : i32
        %get3A = arith.index_cast %add3A_189 : i32 to index
        %get3A_190 = arith.constant 0 : index
        %get3A_191 = tpu.vector_load %arg7[%get3A, %get3A_190] {strides = array<i32>} : memref<100x128xf32, #tpu.memory_space<vmem>>, vector<1x16xf32>,
        %get3A_192 = vector.shape_cast %get3A_191 : vector<1x16xf32> to vector<16xf32>
        %mul3A_193 = arith.constant 8.000000e+00 : f32
        %mul3A_194 = vector.broadcast %mul3A_193 : f32 to vector<16xf32>
        %mul3A_195 = arith.mulf %get3A_192, %mul3A_194 : vector<16xf32>
        %add3A_196 = arith.constant 0 : i32
        %add3A_197 = arith.addi %add3A_196, %add3A_189 : i32
        %swap3A = arith.index_cast %add3A_197 : i32 to index
        %swap3A_198 = arith.constant 0 : index
        %swap3A_199 = tpu.vector_load %arg11[%swap3A, %swap3A_198] {strides = array<i32>} : memref<200x64xf32, #tpu.memory_space<vmem>>, vector<1x16xf32>,
        %swap3A_200 = vector.shape_cast %swap3A_199 : vector<1x16xf32> to vector<16xf32>
        %swap3A_201 = vector.shape_cast %mul3A_195 : vector<16xf32> to vector<1x16xf32>
        tpu.vector_store %arg11[%swap3A, %swap3A_198], %swap3A_201 {strides = array<i32>} : memref<200x64xf32, #tpu.memory_space<vmem>>, vector<1x16xf32>,
        %get3A_202 = arith.index_cast %add3A_189 : i32 to index
        %get3A_203 = arith.constant 16 : index
        %get3A_204 = tpu.vector_load %arg7[%get3A_202, %get3A_203] {strides = array<i32>} : memref<100x128xf32, #tpu.memory_space<vmem>>, vector<1x16xf32>,
        %get3A_205 = vector.shape_cast %get3A_204 : vector<1x16xf32> to vector<16xf32>
        %mul3A_206 = arith.constant 8.000000e+00 : f32
        %mul3A_207 = vector.broadcast %mul3A_206 : f32 to vector<16xf32>
        %mul3A_208 = arith.mulf %get3A_205, %mul3A_207 : vector<16xf32>
        %add3A_209 = arith.constant 0 : i32
        %add3A_210 = arith.addi %add3A_209, %add3A_189 : i32
        %swap3A_211 = arith.index_cast %add3A_210 : i32 to index
        %swap3A_212 = arith.constant 16 : index
        %swap3A_213 = tpu.vector_load %arg11[%swap3A_211, %swap3A_212] {strides = array<i32>} : memref<200x64xf32, #tpu.memory_space<vmem>>, vector<1x16xf32>,
        %swap3A_214 = vector.shape_cast %swap3A_213 : vector<1x16xf32> to vector<16xf32>
        %swap3A_215 = vector.shape_cast %mul3A_208 : vector<16xf32> to vector<1x16xf32>
        tpu.vector_store %arg11[%swap3A_211, %swap3A_212], %swap3A_215 {strides = array<i32>} : memref<200x64xf32, #tpu.memory_space<vmem>>, vector<1x16xf32>,
        %get3A_216 = arith.index_cast %add3A_189 : i32 to index
        %get3A_217 = arith.constant 32 : index
        %get3A_218 = tpu.vector_load %arg7[%get3A_216, %get3A_217] {strides = array<i32>} : memref<100x128xf32, #tpu.memory_space<vmem>>, vector<1x16xf32>,
        %get3A_219 = vector.shape_cast %get3A_218 : vector<1x16xf32> to vector<16xf32>
        %mul3A_220 = arith.constant 8.000000e+00 : f32
        %mul3A_221 = vector.broadcast %mul3A_220 : f32 to vector<16xf32>
        %mul3A_222 = arith.mulf %get3A_219, %mul3A_221 : vector<16xf32>
        %add3A_223 = arith.constant 0 : i32
        %add3A_224 = arith.addi %add3A_223, %add3A_189 : i32
        %swap3A_225 = arith.index_cast %add3A_224 : i32 to index
        %swap3A_226 = arith.constant 32 : index
        %swap3A_227 = tpu.vector_load %arg11[%swap3A_225, %swap3A_226] {strides = array<i32>} : memref<200x64xf32, #tpu.memory_space<vmem>>, vector<1x16xf32>,
        %swap3A_228 = vector.shape_cast %swap3A_227 : vector<1x16xf32> to vector<16xf32>
        %swap3A_229 = vector.shape_cast %mul3A_222 : vector<16xf32> to vector<1x16xf32>
        tpu.vector_store %arg11[%swap3A_225, %swap3A_226], %swap3A_229 {strides = array<i32>} : memref<200x64xf32, #tpu.memory_space<vmem>>, vector<1x16xf32>,
        %get3A_230 = arith.index_cast %add3A_189 : i32 to index
        %get3A_231 = arith.constant 48 : index
        %get3A_232 = tpu.vector_load %arg7[%get3A_230, %get3A_231] {strides = array<i32>} : memref<100x128xf32, #tpu.memory_space<vmem>>, vector<1x16xf32>,
        %get3A_233 = vector.shape_cast %get3A_232 : vector<1x16xf32> to vector<16xf32>
        %mul3A_234 = arith.constant 8.000000e+00 : f32
        %mul3A_235 = vector.broadcast %mul3A_234 : f32 to vector<16xf32>
        %mul3A_236 = arith.mulf %get3A_233, %mul3A_235 : vector<16xf32>
        %add3A_237 = arith.constant 0 : i32
        %add3A_238 = arith.addi %add3A_237, %add3A_189 : i32
        %swap3A_239 = arith.index_cast %add3A_238 : i32 to index
        %swap3A_240 = arith.constant 48 : index
        %swap3A_241 = tpu.vector_load %arg11[%swap3A_239, %swap3A_240] {strides = array<i32>} : memref<200x64xf32, #tpu.memory_space<vmem>>, vector<1x16xf32>,
        %swap3A_242 = vector.shape_cast %swap3A_241 : vector<1x16xf32> to vector<16xf32>
        %swap3A_243 = vector.shape_cast %mul3A_236 : vector<16xf32> to vector<1x16xf32>
        tpu.vector_store %arg11[%swap3A_239, %swap3A_240], %swap3A_243 {strides = array<i32>} : memref<200x64xf32, #tpu.memory_space<vmem>>, vector<1x16xf32>,
        %mul3A_244 = arith.constant 4 : i32
        %mul3A_245 = arith.muli %scan3A_185, %mul3A_244 : i32
        %add3A_246 = arith.constant 1 : i32
        %add3A_247 = arith.addi %mul3A_245, %add3A_246 : i32
        %get3A_248 = arith.index_cast %add3A_247 : i32 to index
        %get3A_249 = arith.constant 0 : index
        %get3A_250 = tpu.vector_load %arg7[%get3A_248, %get3A_249] {strides = array<i32>} : memref<100x128xf32, #tpu.memory_space<vmem>>, vector<1x16xf32>,
        %get3A_251 = vector.shape_cast %get3A_250 : vector<1x16xf32> to vector<16xf32>
        %mul3A_252 = arith.constant 8.000000e+00 : f32
        %mul3A_253 = vector.broadcast %mul3A_252 : f32 to vector<16xf32>
        %mul3A_254 = arith.mulf %get3A_251, %mul3A_253 : vector<16xf32>
        %add3A_255 = arith.constant 0 : i32
        %add3A_256 = arith.addi %add3A_255, %add3A_247 : i32
        %swap3A_257 = arith.index_cast %add3A_256 : i32 to index
        %swap3A_258 = arith.constant 0 : index
        %swap3A_259 = tpu.vector_load %arg11[%swap3A_257, %swap3A_258] {strides = array<i32>} : memref<200x64xf32, #tpu.memory_space<vmem>>, vector<1x16xf32>,
        %swap3A_260 = vector.shape_cast %swap3A_259 : vector<1x16xf32> to vector<16xf32>
        %swap3A_261 = vector.shape_cast %mul3A_254 : vector<16xf32> to vector<1x16xf32>
        tpu.vector_store %arg11[%swap3A_257, %swap3A_258], %swap3A_261 {strides = array<i32>} : memref<200x64xf32, #tpu.memory_space<vmem>>, vector<1x16xf32>,
        %get3A_262 = arith.index_cast %add3A_247 : i32 to index
        %get3A_263 = arith.constant 16 : index
        %get3A_264 = tpu.vector_load %arg7[%get3A_262, %get3A_263] {strides = array<i32>} : memref<100x128xf32, #tpu.memory_space<vmem>>, vector<1x16xf32>,
        %get3A_265 = vector.shape_cast %get3A_264 : vector<1x16xf32> to vector<16xf32>
        %mul3A_266 = arith.constant 8.000000e+00 : f32
        %mul3A_267 = vector.broadcast %mul3A_266 : f32 to vector<16xf32>
        %mul3A_268 = arith.mulf %get3A_265, %mul3A_267 : vector<16xf32>
        %add3A_269 = arith.constant 0 : i32
        %add3A_270 = arith.addi %add3A_269, %add3A_247 : i32
        %swap3A_271 = arith.index_cast %add3A_270 : i32 to index
        %swap3A_272 = arith.constant 16 : index
        %swap3A_273 = tpu.vector_load %arg11[%swap3A_271, %swap3A_272] {strides = array<i32>} : memref<200x64xf32, #tpu.memory_space<vmem>>, vector<1x16xf32>,
        %swap3A_274 = vector.shape_cast %swap3A_273 : vector<1x16xf32> to vector<16xf32>
        %swap3A_275 = vector.shape_cast %mul3A_268 : vector<16xf32> to vector<1x16xf32>
        tpu.vector_store %arg11[%swap3A_271, %swap3A_272], %swap3A_275 {strides = array<i32>} : memref<200x64xf32, #tpu.memory_space<vmem>>, vector<1x16xf32>,
        %get3A_276 = arith.index_cast %add3A_247 : i32 to index
        %get3A_277 = arith.constant 32 : index
        %get3A_278 = tpu.vector_load %arg7[%get3A_276, %get3A_277] {strides = array<i32>} : memref<100x128xf32, #tpu.memory_space<vmem>>, vector<1x16xf32>,
        %get3A_279 = vector.shape_cast %get3A_278 : vector<1x16xf32> to vector<16xf32>
        %mul3A_280 = arith.constant 8.000000e+00 : f32
        %mul3A_281 = vector.broadcast %mul3A_280 : f32 to vector<16xf32>
        %mul3A_282 = arith.mulf %get3A_279, %mul3A_281 : vector<16xf32>
        %add3A_283 = arith.constant 0 : i32
        %add3A_284 = arith.addi %add3A_283, %add3A_247 : i32
        %swap3A_285 = arith.index_cast %add3A_284 : i32 to index
        %swap3A_286 = arith.constant 32 : index
        %swap3A_287 = tpu.vector_load %arg11[%swap3A_285, %swap3A_286] {strides = array<i32>} : memref<200x64xf32, #tpu.memory_space<vmem>>, vector<1x16xf32>,
        %swap3A_288 = vector.shape_cast %swap3A_287 : vector<1x16xf32> to vector<16xf32>
        %swap3A_289 = vector.shape_cast %mul3A_282 : vector<16xf32> to vector<1x16xf32>
        tpu.vector_store %arg11[%swap3A_285, %swap3A_286], %swap3A_289 {strides = array<i32>} : memref<200x64xf32, #tpu.memory_space<vmem>>, vector<1x16xf32>,
        %get3A_290 = arith.index_cast %add3A_247 : i32 to index
        %get3A_291 = arith.constant 48 : index
        %get3A_292 = tpu.vector_load %arg7[%get3A_290, %get3A_291] {strides = array<i32>} : memref<100x128xf32, #tpu.memory_space<vmem>>, vector<1x16xf32>,
        %get3A_293 = vector.shape_cast %get3A_292 : vector<1x16xf32> to vector<16xf32>
        %mul3A_294 = arith.constant 8.000000e+00 : f32
        %mul3A_295 = vector.broadcast %mul3A_294 : f32 to vector<16xf32>
        %mul3A_296 = arith.mulf %get3A_293, %mul3A_295 : vector<16xf32>
        %add3A_297 = arith.constant 0 : i32
        %add3A_298 = arith.addi %add3A_297, %add3A_247 : i32
        %swap3A_299 = arith.index_cast %add3A_298 : i32 to index
        %swap3A_300 = arith.constant 48 : index
        %swap3A_301 = tpu.vector_load %arg11[%swap3A_299, %swap3A_300] {strides = array<i32>} : memref<200x64xf32, #tpu.memory_space<vmem>>, vector<1x16xf32>,
        %swap3A_302 = vector.shape_cast %swap3A_301 : vector<1x16xf32> to vector<16xf32>
        %swap3A_303 = vector.shape_cast %mul3A_296 : vector<16xf32> to vector<1x16xf32>
        tpu.vector_store %arg11[%swap3A_299, %swap3A_300], %swap3A_303 {strides = array<i32>} : memref<200x64xf32, #tpu.memory_space<vmem>>, vector<1x16xf32>,
        %mul3A_304 = arith.constant 4 : i32
        %mul3A_305 = arith.muli %scan3A_185, %mul3A_304 : i32
        %add3A_306 = arith.constant 2 : i32
        %add3A_307 = arith.addi %mul3A_305, %add3A_306 : i32
        %get3A_308 = arith.index_cast %add3A_307 : i32 to index
        %get3A_309 = arith.constant 0 : index
        %get3A_310 = tpu.vector_load %arg7[%get3A_308, %get3A_309] {strides = array<i32>} : memref<100x128xf32, #tpu.memory_space<vmem>>, vector<1x16xf32>,
        %get3A_311 = vector.shape_cast %get3A_310 : vector<1x16xf32> to vector<16xf32>
        %mul3A_312 = arith.constant 8.000000e+00 : f32
        %mul3A_313 = vector.broadcast %mul3A_312 : f32 to vector<16xf32>
        %mul3A_314 = arith.mulf %get3A_311, %mul3A_313 : vector<16xf32>
        %add3A_315 = arith.constant 0 : i32
        %add3A_316 = arith.addi %add3A_315, %add3A_307 : i32
        %swap3A_317 = arith.index_cast %add3A_316 : i32 to index
        %swap3A_318 = arith.constant 0 : index
        %swap3A_319 = tpu.vector_load %arg11[%swap3A_317, %swap3A_318] {strides = array<i32>} : memref<200x64xf32, #tpu.memory_space<vmem>>, vector<1x16xf32>,
        %swap3A_320 = vector.shape_cast %swap3A_319 : vector<1x16xf32> to vector<16xf32>
        %swap3A_321 = vector.shape_cast %mul3A_314 : vector<16xf32> to vector<1x16xf32>
        tpu.vector_store %arg11[%swap3A_317, %swap3A_318], %swap3A_321 {strides = array<i32>} : memref<200x64xf32, #tpu.memory_space<vmem>>, vector<1x16xf32>,
        %get3A_322 = arith.index_cast %add3A_307 : i32 to index
        %get3A_323 = arith.constant 16 : index
        %get3A_324 = tpu.vector_load %arg7[%get3A_322, %get3A_323] {strides = array<i32>} : memref<100x128xf32, #tpu.memory_space<vmem>>, vector<1x16xf32>,
        %get3A_325 = vector.shape_cast %get3A_324 : vector<1x16xf32> to vector<16xf32>
        %mul3A_326 = arith.constant 8.000000e+00 : f32
        %mul3A_327 = vector.broadcast %mul3A_326 : f32 to vector<16xf32>
        %mul3A_328 = arith.mulf %get3A_325, %mul3A_327 : vector<16xf32>
        %add3A_329 = arith.constant 0 : i32
        %add3A_330 = arith.addi %add3A_329, %add3A_307 : i32
        %swap3A_331 = arith.index_cast %add3A_330 : i32 to index
        %swap3A_332 = arith.constant 16 : index
        %swap3A_333 = tpu.vector_load %arg11[%swap3A_331, %swap3A_332] {strides = array<i32>} : memref<200x64xf32, #tpu.memory_space<vmem>>, vector<1x16xf32>,
        %swap3A_334 = vector.shape_cast %swap3A_333 : vector<1x16xf32> to vector<16xf32>
        %swap3A_335 = vector.shape_cast %mul3A_328 : vector<16xf32> to vector<1x16xf32>
        tpu.vector_store %arg11[%swap3A_331, %swap3A_332], %swap3A_335 {strides = array<i32>} : memref<200x64xf32, #tpu.memory_space<vmem>>, vector<1x16xf32>,
        %get3A_336 = arith.index_cast %add3A_307 : i32 to index
        %get3A_337 = arith.constant 32 : index
        %get3A_338 = tpu.vector_load %arg7[%get3A_336, %get3A_337] {strides = array<i32>} : memref<100x128xf32, #tpu.memory_space<vmem>>, vector<1x16xf32>,
        %get3A_339 = vector.shape_cast %get3A_338 : vector<1x16xf32> to vector<16xf32>
        %mul3A_340 = arith.constant 8.000000e+00 : f32
        %mul3A_341 = vector.broadcast %mul3A_340 : f32 to vector<16xf32>
        %mul3A_342 = arith.mulf %get3A_339, %mul3A_341 : vector<16xf32>
        %add3A_343 = arith.constant 0 : i32
        %add3A_344 = arith.addi %add3A_343, %add3A_307 : i32
        %swap3A_345 = arith.index_cast %add3A_344 : i32 to index
        %swap3A_346 = arith.constant 32 : index
        %swap3A_347 = tpu.vector_load %arg11[%swap3A_345, %swap3A_346] {strides = array<i32>} : memref<200x64xf32, #tpu.memory_space<vmem>>, vector<1x16xf32>,
        %swap3A_348 = vector.shape_cast %swap3A_347 : vector<1x16xf32> to vector<16xf32>
        %swap3A_349 = vector.shape_cast %mul3A_342 : vector<16xf32> to vector<1x16xf32>
        tpu.vector_store %arg11[%swap3A_345, %swap3A_346], %swap3A_349 {strides = array<i32>} : memref<200x64xf32, #tpu.memory_space<vmem>>, vector<1x16xf32>,
        %get3A_350 = arith.index_cast %add3A_307 : i32 to index
        %get3A_351 = arith.constant 48 : index
        %get3A_352 = tpu.vector_load %arg7[%get3A_350, %get3A_351] {strides = array<i32>} : memref<100x128xf32, #tpu.memory_space<vmem>>, vector<1x16xf32>,
        %get3A_353 = vector.shape_cast %get3A_352 : vector<1x16xf32> to vector<16xf32>
        %mul3A_354 = arith.constant 8.000000e+00 : f32
        %mul3A_355 = vector.broadcast %mul3A_354 : f32 to vector<16xf32>
        %mul3A_356 = arith.mulf %get3A_353, %mul3A_355 : vector<16xf32>
        %add3A_357 = arith.constant 0 : i32
        %add3A_358 = arith.addi %add3A_357, %add3A_307 : i32
        %swap3A_359 = arith.index_cast %add3A_358 : i32 to index
        %swap3A_360 = arith.constant 48 : index
        %swap3A_361 = tpu.vector_load %arg11[%swap3A_359, %swap3A_360] {strides = array<i32>} : memref<200x64xf32, #tpu.memory_space<vmem>>, vector<1x16xf32>,
        %swap3A_362 = vector.shape_cast %swap3A_361 : vector<1x16xf32> to vector<16xf32>
        %swap3A_363 = vector.shape_cast %mul3A_356 : vector<16xf32> to vector<1x16xf32>
        tpu.vector_store %arg11[%swap3A_359, %swap3A_360], %swap3A_363 {strides = array<i32>} : memref<200x64xf32, #tpu.memory_space<vmem>>, vector<1x16xf32>,
        %mul3A_364 = arith.constant 4 : i32
        %mul3A_365 = arith.muli %scan3A_185, %mul3A_364 : i32
        %add3A_366 = arith.constant 3 : i32
        %add3A_367 = arith.addi %mul3A_365, %add3A_366 : i32
        %get3A_368 = arith.index_cast %add3A_367 : i32 to index
        %get3A_369 = arith.constant 0 : index
        %get3A_370 = tpu.vector_load %arg7[%get3A_368, %get3A_369] {strides = array<i32>} : memref<100x128xf32, #tpu.memory_space<vmem>>, vector<1x16xf32>,
        %get3A_371 = vector.shape_cast %get3A_370 : vector<1x16xf32> to vector<16xf32>
        %mul3A_372 = arith.constant 8.000000e+00 : f32
        %mul3A_373 = vector.broadcast %mul3A_372 : f32 to vector<16xf32>
        %mul3A_374 = arith.mulf %get3A_371, %mul3A_373 : vector<16xf32>
        %add3A_375 = arith.constant 0 : i32
        %add3A_376 = arith.addi %add3A_375, %add3A_367 : i32
        %swap3A_377 = arith.index_cast %add3A_376 : i32 to index
        %swap3A_378 = arith.constant 0 : index
        %swap3A_379 = tpu.vector_load %arg11[%swap3A_377, %swap3A_378] {strides = array<i32>} : memref<200x64xf32, #tpu.memory_space<vmem>>, vector<1x16xf32>,
        %swap3A_380 = vector.shape_cast %swap3A_379 : vector<1x16xf32> to vector<16xf32>
        %swap3A_381 = vector.shape_cast %mul3A_374 : vector<16xf32> to vector<1x16xf32>
        tpu.vector_store %arg11[%swap3A_377, %swap3A_378], %swap3A_381 {strides = array<i32>} : memref<200x64xf32, #tpu.memory_space<vmem>>, vector<1x16xf32>,
        %get3A_382 = arith.index_cast %add3A_367 : i32 to index
        %get3A_383 = arith.constant 16 : index
        %get3A_384 = tpu.vector_load %arg7[%get3A_382, %get3A_383] {strides = array<i32>} : memref<100x128xf32, #tpu.memory_space<vmem>>, vector<1x16xf32>,
        %get3A_385 = vector.shape_cast %get3A_384 : vector<1x16xf32> to vector<16xf32>
        %mul3A_386 = arith.constant 8.000000e+00 : f32
        %mul3A_387 = vector.broadcast %mul3A_386 : f32 to vector<16xf32>
        %mul3A_388 = arith.mulf %get3A_385, %mul3A_387 : vector<16xf32>
        %add3A_389 = arith.constant 0 : i32
        %add3A_390 = arith.addi %add3A_389, %add3A_367 : i32
        %swap3A_391 = arith.index_cast %add3A_390 : i32 to index
        %swap3A_392 = arith.constant 16 : index
        %swap3A_393 = tpu.vector_load %arg11[%swap3A_391, %swap3A_392] {strides = array<i32>} : memref<200x64xf32, #tpu.memory_space<vmem>>, vector<1x16xf32>,
        %swap3A_394 = vector.shape_cast %swap3A_393 : vector<1x16xf32> to vector<16xf32>
        %swap3A_395 = vector.shape_cast %mul3A_388 : vector<16xf32> to vector<1x16xf32>
        tpu.vector_store %arg11[%swap3A_391, %swap3A_392], %swap3A_395 {strides = array<i32>} : memref<200x64xf32, #tpu.memory_space<vmem>>, vector<1x16xf32>,
        %get3A_396 = arith.index_cast %add3A_367 : i32 to index
        %get3A_397 = arith.constant 32 : index
        %get3A_398 = tpu.vector_load %arg7[%get3A_396, %get3A_397] {strides = array<i32>} : memref<100x128xf32, #tpu.memory_space<vmem>>, vector<1x16xf32>,
        %get3A_399 = vector.shape_cast %get3A_398 : vector<1x16xf32> to vector<16xf32>
        %mul3A_400 = arith.constant 8.000000e+00 : f32
        %mul3A_401 = vector.broadcast %mul3A_400 : f32 to vector<16xf32>
        %mul3A_402 = arith.mulf %get3A_399, %mul3A_401 : vector<16xf32>
        %add3A_403 = arith.constant 0 : i32
        %add3A_404 = arith.addi %add3A_403, %add3A_367 : i32
        %swap3A_405 = arith.index_cast %add3A_404 : i32 to index
        %swap3A_406 = arith.constant 32 : index
        %swap3A_407 = tpu.vector_load %arg11[%swap3A_405, %swap3A_406] {strides = array<i32>} : memref<200x64xf32, #tpu.memory_space<vmem>>, vector<1x16xf32>,
        %swap3A_408 = vector.shape_cast %swap3A_407 : vector<1x16xf32> to vector<16xf32>
        %swap3A_409 = vector.shape_cast %mul3A_402 : vector<16xf32> to vector<1x16xf32>
        tpu.vector_store %arg11[%swap3A_405, %swap3A_406], %swap3A_409 {strides = array<i32>} : memref<200x64xf32, #tpu.memory_space<vmem>>, vector<1x16xf32>,
        %get3A_410 = arith.index_cast %add3A_367 : i32 to index
        %get3A_411 = arith.constant 48 : index
        %get3A_412 = tpu.vector_load %arg7[%get3A_410, %get3A_411] {strides = array<i32>} : memref<100x128xf32, #tpu.memory_space<vmem>>, vector<1x16xf32>,
        %get3A_413 = vector.shape_cast %get3A_412 : vector<1x16xf32> to vector<16xf32>
        %mul3A_414 = arith.constant 8.000000e+00 : f32
        %mul3A_415 = vector.broadcast %mul3A_414 : f32 to vector<16xf32>
        %mul3A_416 = arith.mulf %get3A_413, %mul3A_415 : vector<16xf32>
        %add3A_417 = arith.constant 0 : i32
        %add3A_418 = arith.addi %add3A_417, %add3A_367 : i32
        %swap3A_419 = arith.index_cast %add3A_418 : i32 to index
        %swap3A_420 = arith.constant 48 : index
        %swap3A_421 = tpu.vector_load %arg11[%swap3A_419, %swap3A_420] {strides = array<i32>} : memref<200x64xf32, #tpu.memory_space<vmem>>, vector<1x16xf32>,
        %swap3A_422 = vector.shape_cast %swap3A_421 : vector<1x16xf32> to vector<16xf32>
        %swap3A_423 = vector.shape_cast %mul3A_416 : vector<16xf32> to vector<1x16xf32>
        tpu.vector_store %arg11[%swap3A_419, %swap3A_420], %swap3A_423 {strides = array<i32>} : memref<200x64xf32, #tpu.memory_space<vmem>>, vector<1x16xf32>,
      }
      %scan3A_98 = arith.constant 25 : i32
      %lt3A_99 = arith.constant 63 : i32
      %lt3A_100 = arith.cmpi slt, %scan3A_58, %lt3A_99 : i32
      %convert_element_type3A_101 = arith.extui %lt3A_100 : i1 to i32
      %cond3A_102 = arith.constant 0 : i32
      %cond3A_103 = arith.cmpi ne, %convert_element_type3A_101, %cond3A_102 : i32
      scf.if %cond3A_103 {
        %add3A_185 = arith.constant 1 : i32
        %add3A_186 = arith.addi %scan3A_58, %add3A_185 : i32
        %mul3A_187 = arith.constant 4 : i32
        %mul3A_188 = arith.muli %mul3A_187, %add3A_186 : i32
        %add3A_189 = arith.constant 0 : i32
        %add3A_190 = arith.addi %mul3A_188, %add3A_189 : i32
        %jit3A_191 = arith.constant 64 : i32
        %div3A = arith.divsi %add3A_190, %jit3A_191 : i32
        %sign3A = arith.constant 0 : i32
        %sign3A_192 = arith.cmpi sgt, %add3A_190, %sign3A : i32
        %sign3A_193 = arith.extui %sign3A_192 : i1 to i32
        %sign3A_194 = arith.constant 0 : i32
        %sign3A_195 = arith.cmpi slt, %add3A_190, %sign3A_194 : i32
        %sign3A_196 = arith.extui %sign3A_195 : i1 to i32
        %sign3A_197 = arith.subi %sign3A_193, %sign3A_196 : i32
        %sign3A_198 = arith.constant 0 : i32
        %sign3A_199 = arith.cmpi sgt, %jit3A_191, %sign3A_198 : i32
        %sign3A_200 = arith.extui %sign3A_199 : i1 to i32
        %sign3A_201 = arith.constant 0 : i32
        %sign3A_202 = arith.cmpi slt, %jit3A_191, %sign3A_201 : i32
        %sign3A_203 = arith.extui %sign3A_202 : i1 to i32
        %sign3A_204 = arith.subi %sign3A_200, %sign3A_203 : i32
        %ne3A_205 = arith.cmpi ne, %sign3A_197, %sign3A_204 : i32
        %rem3A_206 = arith.remsi %add3A_190, %jit3A_191 : i32
        %ne3A_207 = arith.constant 0 : i32
        %ne3A_208 = arith.cmpi ne, %rem3A_206, %ne3A_207 : i32
        %and3A_209 = arith.andi %ne3A_205, %ne3A_208 : i1
        %sub3A = arith.constant 1 : i32
        %sub3A_210 = arith.subi %div3A, %sub3A : i32
        %select_n3A_211 = arith.select %and3A_209, %sub3A_210, %div3A : i32
        %jit3A_212 = arith.constant 2 : i32
        %eq3A_213 = arith.constant 0 : i32
        %eq3A_214 = arith.cmpi eq, %jit3A_212, %eq3A_213 : i32
        %jit3A_215 = arith.constant 1 : i32
        %select_n3A_216 = arith.select %eq3A_214, %jit3A_215, %jit3A_212 : i32
        %rem3A_217 = arith.remsi %select_n3A_211, %select_n3A_216 : i32
        %ne3A_218 = arith.constant 0 : i32
        %ne3A_219 = arith.cmpi ne, %rem3A_217, %ne3A_218 : i32
        %lt3A_220 = arith.constant 0 : i32
        %lt3A_221 = arith.cmpi slt, %rem3A_217, %lt3A_220 : i32
        %lt3A_222 = arith.constant 0 : i32
        %lt3A_223 = arith.cmpi slt, %select_n3A_216, %lt3A_222 : i32
        %ne3A_224 = arith.xori %lt3A_221, %lt3A_223 : i1
        %and3A_225 = arith.andi %ne3A_224, %ne3A_219 : i1
        %add3A_226 = arith.addi %rem3A_217, %select_n3A_216 : i32
        %select_n3A_227 = arith.select %and3A_225, %add3A_226, %rem3A_217 : i32
        %eq3A_228 = arith.constant 0 : i32
        %eq3A_229 = arith.cmpi eq, %select_n3A_227, %eq3A_228 : i32
        %convert_element_type3A_230 = arith.extui %eq3A_229 : i1 to i32
        %cond3A_231 = arith.constant 0 : i32
        %cond3A_232 = arith.cmpi ne, %convert_element_type3A_230, %cond3A_231 : i32
        scf.if %cond3A_232 {
          %jit3A_278 = arith.constant 64 : i32
          %eq3A_279 = arith.constant 0 : i32
          %eq3A_280 = arith.cmpi eq, %jit3A_278, %eq3A_279 : i32
          %jit3A_281 = arith.constant 1 : i32
          %select_n3A_282 = arith.select %eq3A_280, %jit3A_281, %jit3A_278 : i32
          %rem3A_283 = arith.remsi %add3A_190, %select_n3A_282 : i32
          %ne3A_284 = arith.constant 0 : i32
          %ne3A_285 = arith.cmpi ne, %rem3A_283, %ne3A_284 : i32
          %lt3A_286 = arith.constant 0 : i32
          %lt3A_287 = arith.cmpi slt, %rem3A_283, %lt3A_286 : i32
          %lt3A_288 = arith.constant 0 : i32
          %lt3A_289 = arith.cmpi slt, %select_n3A_282, %lt3A_288 : i32
          %ne3A_290 = arith.xori %lt3A_287, %lt3A_289 : i1
          %and3A_291 = arith.andi %ne3A_290, %ne3A_285 : i1
          %add3A_292 = arith.addi %rem3A_283, %select_n3A_282 : i32
          %select_n3A_293 = arith.select %and3A_291, %add3A_292, %rem3A_283 : i32
          %dma_start3A_294 = arith.constant 0 : i32
          %dma_start3A_295 = tpu.memref_slice %arg5[%select_n3A_293, %dma_start3A_294] : memref<64x100xi32, #tpu.memory_space<vmem>> -> memref<1x100xi32, #tpu.memory_space<vmem>>
          %dma_start3A_296 = tpu.memref_squeeze %dma_start3A_295 : memref<1x100xi32, #tpu.memory_space<vmem>> -> memref<100xi32, #tpu.memory_space<vmem>>
          %dma_start3A_297 = arith.constant 0 : i32
          %dma_start3A_298 = arith.constant 0 : i32
          %dma_start3A_299 = tpu.memref_slice %arg3[%dma_start3A_297, %dma_start3A_298] : memref<1000000x128xf32, #tpu.memory_space<hbm>> -> memref<1000000x128xf32, #tpu.memory_space<hbm>>
          tpu.enqueue_indirect_dma source(%dma_start3A_299 : memref<1000000x128xf32, #tpu.memory_space<hbm>>) target(%arg7 : memref<100x128xf32, #tpu.memory_space<vmem>>) offsets(%dma_start3A_296 : memref<100xi32, #tpu.memory_space<vmem>>) semaphore(%arg13 : memref<!tpu.dma_semaphore, #tpu.memory_space<semaphore_mem>>)
        } else {
        }
        %jit3A_233 = arith.constant 64 : i32
        %div3A_234 = arith.divsi %add3A_190, %jit3A_233 : i32
        %sign3A_235 = arith.constant 0 : i32
        %sign3A_236 = arith.cmpi sgt, %add3A_190, %sign3A_235 : i32
        %sign3A_237 = arith.extui %sign3A_236 : i1 to i32
        %sign3A_238 = arith.constant 0 : i32
        %sign3A_239 = arith.cmpi slt, %add3A_190, %sign3A_238 : i32
        %sign3A_240 = arith.extui %sign3A_239 : i1 to i32
        %sign3A_241 = arith.subi %sign3A_237, %sign3A_240 : i32
        %sign3A_242 = arith.constant 0 : i32
        %sign3A_243 = arith.cmpi sgt, %jit3A_233, %sign3A_242 : i32
        %sign3A_244 = arith.extui %sign3A_243 : i1 to i32
        %sign3A_245 = arith.constant 0 : i32
        %sign3A_246 = arith.cmpi slt, %jit3A_233, %sign3A_245 : i32
        %sign3A_247 = arith.extui %sign3A_246 : i1 to i32
        %sign3A_248 = arith.subi %sign3A_244, %sign3A_247 : i32
        %ne3A_249 = arith.cmpi ne, %sign3A_241, %sign3A_248 : i32
        %rem3A_250 = arith.remsi %add3A_190, %jit3A_233 : i32
        %ne3A_251 = arith.constant 0 : i32
        %ne3A_252 = arith.cmpi ne, %rem3A_250, %ne3A_251 : i32
        %and3A_253 = arith.andi %ne3A_249, %ne3A_252 : i1
        %sub3A_254 = arith.constant 1 : i32
        %sub3A_255 = arith.subi %div3A_234, %sub3A_254 : i32
        %select_n3A_256 = arith.select %and3A_253, %sub3A_255, %div3A_234 : i32
        %jit3A_257 = arith.constant 2 : i32
        %eq3A_258 = arith.constant 0 : i32
        %eq3A_259 = arith.cmpi eq, %jit3A_257, %eq3A_258 : i32
        %jit3A_260 = arith.constant 1 : i32
        %select_n3A_261 = arith.select %eq3A_259, %jit3A_260, %jit3A_257 : i32
        %rem3A_262 = arith.remsi %select_n3A_256, %select_n3A_261 : i32
        %ne3A_263 = arith.constant 0 : i32
        %ne3A_264 = arith.cmpi ne, %rem3A_262, %ne3A_263 : i32
        %lt3A_265 = arith.constant 0 : i32
        %lt3A_266 = arith.cmpi slt, %rem3A_262, %lt3A_265 : i32
        %lt3A_267 = arith.constant 0 : i32
        %lt3A_268 = arith.cmpi slt, %select_n3A_261, %lt3A_267 : i32
        %ne3A_269 = arith.xori %lt3A_266, %lt3A_268 : i1
        %and3A_270 = arith.andi %ne3A_269, %ne3A_264 : i1
        %add3A_271 = arith.addi %rem3A_262, %select_n3A_261 : i32
        %select_n3A_272 = arith.select %and3A_270, %add3A_271, %rem3A_262 : i32
        %eq3A_273 = arith.constant 1 : i32
        %eq3A_274 = arith.cmpi eq, %select_n3A_272, %eq3A_273 : i32
        %convert_element_type3A_275 = arith.extui %eq3A_274 : i1 to i32
        %cond3A_276 = arith.constant 0 : i32
        %cond3A_277 = arith.cmpi ne, %convert_element_type3A_275, %cond3A_276 : i32
        scf.if %cond3A_277 {
          %jit3A_278 = arith.constant 64 : i32
          %eq3A_279 = arith.constant 0 : i32
          %eq3A_280 = arith.cmpi eq, %jit3A_278, %eq3A_279 : i32
          %jit3A_281 = arith.constant 1 : i32
          %select_n3A_282 = arith.select %eq3A_280, %jit3A_281, %jit3A_278 : i32
          %rem3A_283 = arith.remsi %add3A_190, %select_n3A_282 : i32
          %ne3A_284 = arith.constant 0 : i32
          %ne3A_285 = arith.cmpi ne, %rem3A_283, %ne3A_284 : i32
          %lt3A_286 = arith.constant 0 : i32
          %lt3A_287 = arith.cmpi slt, %rem3A_283, %lt3A_286 : i32
          %lt3A_288 = arith.constant 0 : i32
          %lt3A_289 = arith.cmpi slt, %select_n3A_282, %lt3A_288 : i32
          %ne3A_290 = arith.xori %lt3A_287, %lt3A_289 : i1
          %and3A_291 = arith.andi %ne3A_290, %ne3A_285 : i1
          %add3A_292 = arith.addi %rem3A_283, %select_n3A_282 : i32
          %select_n3A_293 = arith.select %and3A_291, %add3A_292, %rem3A_283 : i32
          %dma_start3A_294 = arith.constant 0 : i32
          %dma_start3A_295 = tpu.memref_slice %arg6[%select_n3A_293, %dma_start3A_294] : memref<64x100xi32, #tpu.memory_space<vmem>> -> memref<1x100xi32, #tpu.memory_space<vmem>>
          %dma_start3A_296 = tpu.memref_squeeze %dma_start3A_295 : memref<1x100xi32, #tpu.memory_space<vmem>> -> memref<100xi32, #tpu.memory_space<vmem>>
          %dma_start3A_297 = arith.constant 0 : i32
          %dma_start3A_298 = arith.constant 0 : i32
          %dma_start3A_299 = tpu.memref_slice %arg3[%dma_start3A_297, %dma_start3A_298] : memref<1000000x128xf32, #tpu.memory_space<hbm>> -> memref<1000000x128xf32, #tpu.memory_space<hbm>>
          tpu.enqueue_indirect_dma source(%dma_start3A_299 : memref<1000000x128xf32, #tpu.memory_space<hbm>>) target(%arg7 : memref<100x128xf32, #tpu.memory_space<vmem>>) offsets(%dma_start3A_296 : memref<100xi32, #tpu.memory_space<vmem>>) semaphore(%arg13 : memref<!tpu.dma_semaphore, #tpu.memory_space<semaphore_mem>>)
        } else {
        }
      } else {
      }
      %dma_wait3A_104 = arith.constant 0 : i32
      %dma_wait3A_105 = arith.constant 0 : i32
      %dma_wait3A_106 = tpu.memref_slice %arg5[%dma_wait3A_104, %dma_wait3A_105] : memref<64x100xi32, #tpu.memory_space<vmem>> -> memref<1x100xi32, #tpu.memory_space<vmem>>
      %dma_wait3A_107 = tpu.memref_squeeze %dma_wait3A_106 : memref<1x100xi32, #tpu.memory_space<vmem>> -> memref<100xi32, #tpu.memory_space<vmem>>
      %dma_wait3A_108 = arith.constant 0 : i32
      %dma_wait3A_109 = arith.constant 0 : i32
      %dma_wait3A_110 = tpu.memref_slice %arg3[%dma_wait3A_108, %dma_wait3A_109] : memref<1000000x128xf32, #tpu.memory_space<hbm>> -> memref<1000000x128xf32, #tpu.memory_space<hbm>>
      tpu.wait_indirect_dma semaphore(%arg14 : memref<!tpu.dma_semaphore, #tpu.memory_space<semaphore_mem>>) src(%dma_wait3A_110 : memref<1000000x128xf32, #tpu.memory_space<hbm>>) dst(%arg8 : memref<100x128xf32, #tpu.memory_space<vmem>>)
      %scan3A_111 = arith.constant 0 : i32
      %scan3A_112 = arith.constant 0 : i32
      %scan3A_113 = arith.constant 25 : i32
      %scan3A_114 = arith.addi %scan3A_112, %scan3A_113 : i32
      %scan3A_115 = arith.constant 1 : i32
      scf.for %scan3A_185 = %scan3A_112 to %scan3A_114 step %scan3A_115  : i32 {
        %mul3A_186 = arith.constant 4 : i32
        %mul3A_187 = arith.muli %scan3A_185, %mul3A_186 : i32
        %add3A_188 = arith.constant 0 : i32
        %add3A_189 = arith.addi %mul3A_187, %add3A_188 : i32
        %get3A = arith.index_cast %add3A_189 : i32 to index
        %get3A_190 = arith.constant 0 : index
        %get3A_191 = tpu.vector_load %arg8[%get3A, %get3A_190] {strides = array<i32>} : memref<100x128xf32, #tpu.memory_space<vmem>>, vector<1x16xf32>,
        %get3A_192 = vector.shape_cast %get3A_191 : vector<1x16xf32> to vector<16xf32>
        %mul3A_193 = arith.constant 8.000000e+00 : f32
        %mul3A_194 = vector.broadcast %mul3A_193 : f32 to vector<16xf32>
        %mul3A_195 = arith.mulf %get3A_192, %mul3A_194 : vector<16xf32>
        %add3A_196 = arith.constant 100 : i32
        %add3A_197 = arith.addi %add3A_196, %add3A_189 : i32
        %swap3A = arith.index_cast %add3A_197 : i32 to index
        %swap3A_198 = arith.constant 0 : index
        %swap3A_199 = tpu.vector_load %arg11[%swap3A, %swap3A_198] {strides = array<i32>} : memref<200x64xf32, #tpu.memory_space<vmem>>, vector<1x16xf32>,
        %swap3A_200 = vector.shape_cast %swap3A_199 : vector<1x16xf32> to vector<16xf32>
        %swap3A_201 = vector.shape_cast %mul3A_195 : vector<16xf32> to vector<1x16xf32>
        tpu.vector_store %arg11[%swap3A, %swap3A_198], %swap3A_201 {strides = array<i32>} : memref<200x64xf32, #tpu.memory_space<vmem>>, vector<1x16xf32>,
        %get3A_202 = arith.index_cast %add3A_189 : i32 to index
        %get3A_203 = arith.constant 16 : index
        %get3A_204 = tpu.vector_load %arg8[%get3A_202, %get3A_203] {strides = array<i32>} : memref<100x128xf32, #tpu.memory_space<vmem>>, vector<1x16xf32>,
        %get3A_205 = vector.shape_cast %get3A_204 : vector<1x16xf32> to vector<16xf32>
        %mul3A_206 = arith.constant 8.000000e+00 : f32
        %mul3A_207 = vector.broadcast %mul3A_206 : f32 to vector<16xf32>
        %mul3A_208 = arith.mulf %get3A_205, %mul3A_207 : vector<16xf32>
        %add3A_209 = arith.constant 100 : i32
        %add3A_210 = arith.addi %add3A_209, %add3A_189 : i32
        %swap3A_211 = arith.index_cast %add3A_210 : i32 to index
        %swap3A_212 = arith.constant 16 : index
        %swap3A_213 = tpu.vector_load %arg11[%swap3A_211, %swap3A_212] {strides = array<i32>} : memref<200x64xf32, #tpu.memory_space<vmem>>, vector<1x16xf32>,
        %swap3A_214 = vector.shape_cast %swap3A_213 : vector<1x16xf32> to vector<16xf32>
        %swap3A_215 = vector.shape_cast %mul3A_208 : vector<16xf32> to vector<1x16xf32>
        tpu.vector_store %arg11[%swap3A_211, %swap3A_212], %swap3A_215 {strides = array<i32>} : memref<200x64xf32, #tpu.memory_space<vmem>>, vector<1x16xf32>,
        %get3A_216 = arith.index_cast %add3A_189 : i32 to index
        %get3A_217 = arith.constant 32 : index
        %get3A_218 = tpu.vector_load %arg8[%get3A_216, %get3A_217] {strides = array<i32>} : memref<100x128xf32, #tpu.memory_space<vmem>>, vector<1x16xf32>,
        %get3A_219 = vector.shape_cast %get3A_218 : vector<1x16xf32> to vector<16xf32>
        %mul3A_220 = arith.constant 8.000000e+00 : f32
        %mul3A_221 = vector.broadcast %mul3A_220 : f32 to vector<16xf32>
        %mul3A_222 = arith.mulf %get3A_219, %mul3A_221 : vector<16xf32>
        %add3A_223 = arith.constant 100 : i32
        %add3A_224 = arith.addi %add3A_223, %add3A_189 : i32
        %swap3A_225 = arith.index_cast %add3A_224 : i32 to index
        %swap3A_226 = arith.constant 32 : index
        %swap3A_227 = tpu.vector_load %arg11[%swap3A_225, %swap3A_226] {strides = array<i32>} : memref<200x64xf32, #tpu.memory_space<vmem>>, vector<1x16xf32>,
        %swap3A_228 = vector.shape_cast %swap3A_227 : vector<1x16xf32> to vector<16xf32>
        %swap3A_229 = vector.shape_cast %mul3A_222 : vector<16xf32> to vector<1x16xf32>
        tpu.vector_store %arg11[%swap3A_225, %swap3A_226], %swap3A_229 {strides = array<i32>} : memref<200x64xf32, #tpu.memory_space<vmem>>, vector<1x16xf32>,
        %get3A_230 = arith.index_cast %add3A_189 : i32 to index
        %get3A_231 = arith.constant 48 : index
        %get3A_232 = tpu.vector_load %arg8[%get3A_230, %get3A_231] {strides = array<i32>} : memref<100x128xf32, #tpu.memory_space<vmem>>, vector<1x16xf32>,
        %get3A_233 = vector.shape_cast %get3A_232 : vector<1x16xf32> to vector<16xf32>
        %mul3A_234 = arith.constant 8.000000e+00 : f32
        %mul3A_235 = vector.broadcast %mul3A_234 : f32 to vector<16xf32>
        %mul3A_236 = arith.mulf %get3A_233, %mul3A_235 : vector<16xf32>
        %add3A_237 = arith.constant 100 : i32
        %add3A_238 = arith.addi %add3A_237, %add3A_189 : i32
        %swap3A_239 = arith.index_cast %add3A_238 : i32 to index
        %swap3A_240 = arith.constant 48 : index
        %swap3A_241 = tpu.vector_load %arg11[%swap3A_239, %swap3A_240] {strides = array<i32>} : memref<200x64xf32, #tpu.memory_space<vmem>>, vector<1x16xf32>,
        %swap3A_242 = vector.shape_cast %swap3A_241 : vector<1x16xf32> to vector<16xf32>
        %swap3A_243 = vector.shape_cast %mul3A_236 : vector<16xf32> to vector<1x16xf32>
        tpu.vector_store %arg11[%swap3A_239, %swap3A_240], %swap3A_243 {strides = array<i32>} : memref<200x64xf32, #tpu.memory_space<vmem>>, vector<1x16xf32>,
        %mul3A_244 = arith.constant 4 : i32
        %mul3A_245 = arith.muli %scan3A_185, %mul3A_244 : i32
        %add3A_246 = arith.constant 1 : i32
        %add3A_247 = arith.addi %mul3A_245, %add3A_246 : i32
        %get3A_248 = arith.index_cast %add3A_247 : i32 to index
        %get3A_249 = arith.constant 0 : index
        %get3A_250 = tpu.vector_load %arg8[%get3A_248, %get3A_249] {strides = array<i32>} : memref<100x128xf32, #tpu.memory_space<vmem>>, vector<1x16xf32>,
        %get3A_251 = vector.shape_cast %get3A_250 : vector<1x16xf32> to vector<16xf32>
        %mul3A_252 = arith.constant 8.000000e+00 : f32
        %mul3A_253 = vector.broadcast %mul3A_252 : f32 to vector<16xf32>
        %mul3A_254 = arith.mulf %get3A_251, %mul3A_253 : vector<16xf32>
        %add3A_255 = arith.constant 100 : i32
        %add3A_256 = arith.addi %add3A_255, %add3A_247 : i32
        %swap3A_257 = arith.index_cast %add3A_256 : i32 to index
        %swap3A_258 = arith.constant 0 : index
        %swap3A_259 = tpu.vector_load %arg11[%swap3A_257, %swap3A_258] {strides = array<i32>} : memref<200x64xf32, #tpu.memory_space<vmem>>, vector<1x16xf32>,
        %swap3A_260 = vector.shape_cast %swap3A_259 : vector<1x16xf32> to vector<16xf32>
        %swap3A_261 = vector.shape_cast %mul3A_254 : vector<16xf32> to vector<1x16xf32>
        tpu.vector_store %arg11[%swap3A_257, %swap3A_258], %swap3A_261 {strides = array<i32>} : memref<200x64xf32, #tpu.memory_space<vmem>>, vector<1x16xf32>,
        %get3A_262 = arith.index_cast %add3A_247 : i32 to index
        %get3A_263 = arith.constant 16 : index
        %get3A_264 = tpu.vector_load %arg8[%get3A_262, %get3A_263] {strides = array<i32>} : memref<100x128xf32, #tpu.memory_space<vmem>>, vector<1x16xf32>,
        %get3A_265 = vector.shape_cast %get3A_264 : vector<1x16xf32> to vector<16xf32>
        %mul3A_266 = arith.constant 8.000000e+00 : f32
        %mul3A_267 = vector.broadcast %mul3A_266 : f32 to vector<16xf32>
        %mul3A_268 = arith.mulf %get3A_265, %mul3A_267 : vector<16xf32>
        %add3A_269 = arith.constant 100 : i32
        %add3A_270 = arith.addi %add3A_269, %add3A_247 : i32
        %swap3A_271 = arith.index_cast %add3A_270 : i32 to index
        %swap3A_272 = arith.constant 16 : index
        %swap3A_273 = tpu.vector_load %arg11[%swap3A_271, %swap3A_272] {strides = array<i32>} : memref<200x64xf32, #tpu.memory_space<vmem>>, vector<1x16xf32>,
        %swap3A_274 = vector.shape_cast %swap3A_273 : vector<1x16xf32> to vector<16xf32>
        %swap3A_275 = vector.shape_cast %mul3A_268 : vector<16xf32> to vector<1x16xf32>
        tpu.vector_store %arg11[%swap3A_271, %swap3A_272], %swap3A_275 {strides = array<i32>} : memref<200x64xf32, #tpu.memory_space<vmem>>, vector<1x16xf32>,
        %get3A_276 = arith.index_cast %add3A_247 : i32 to index
        %get3A_277 = arith.constant 32 : index
        %get3A_278 = tpu.vector_load %arg8[%get3A_276, %get3A_277] {strides = array<i32>} : memref<100x128xf32, #tpu.memory_space<vmem>>, vector<1x16xf32>,
        %get3A_279 = vector.shape_cast %get3A_278 : vector<1x16xf32> to vector<16xf32>
        %mul3A_280 = arith.constant 8.000000e+00 : f32
        %mul3A_281 = vector.broadcast %mul3A_280 : f32 to vector<16xf32>
        %mul3A_282 = arith.mulf %get3A_279, %mul3A_281 : vector<16xf32>
        %add3A_283 = arith.constant 100 : i32
        %add3A_284 = arith.addi %add3A_283, %add3A_247 : i32
        %swap3A_285 = arith.index_cast %add3A_284 : i32 to index
        %swap3A_286 = arith.constant 32 : index
        %swap3A_287 = tpu.vector_load %arg11[%swap3A_285, %swap3A_286] {strides = array<i32>} : memref<200x64xf32, #tpu.memory_space<vmem>>, vector<1x16xf32>,
        %swap3A_288 = vector.shape_cast %swap3A_287 : vector<1x16xf32> to vector<16xf32>
        %swap3A_289 = vector.shape_cast %mul3A_282 : vector<16xf32> to vector<1x16xf32>
        tpu.vector_store %arg11[%swap3A_285, %swap3A_286], %swap3A_289 {strides = array<i32>} : memref<200x64xf32, #tpu.memory_space<vmem>>, vector<1x16xf32>,
        %get3A_290 = arith.index_cast %add3A_247 : i32 to index
        %get3A_291 = arith.constant 48 : index
        %get3A_292 = tpu.vector_load %arg8[%get3A_290, %get3A_291] {strides = array<i32>} : memref<100x128xf32, #tpu.memory_space<vmem>>, vector<1x16xf32>,
        %get3A_293 = vector.shape_cast %get3A_292 : vector<1x16xf32> to vector<16xf32>
        %mul3A_294 = arith.constant 8.000000e+00 : f32
        %mul3A_295 = vector.broadcast %mul3A_294 : f32 to vector<16xf32>
        %mul3A_296 = arith.mulf %get3A_293, %mul3A_295 : vector<16xf32>
        %add3A_297 = arith.constant 100 : i32
        %add3A_298 = arith.addi %add3A_297, %add3A_247 : i32
        %swap3A_299 = arith.index_cast %add3A_298 : i32 to index
        %swap3A_300 = arith.constant 48 : index
        %swap3A_301 = tpu.vector_load %arg11[%swap3A_299, %swap3A_300] {strides = array<i32>} : memref<200x64xf32, #tpu.memory_space<vmem>>, vector<1x16xf32>,
        %swap3A_302 = vector.shape_cast %swap3A_301 : vector<1x16xf32> to vector<16xf32>
        %swap3A_303 = vector.shape_cast %mul3A_296 : vector<16xf32> to vector<1x16xf32>
        tpu.vector_store %arg11[%swap3A_299, %swap3A_300], %swap3A_303 {strides = array<i32>} : memref<200x64xf32, #tpu.memory_space<vmem>>, vector<1x16xf32>,
        %mul3A_304 = arith.constant 4 : i32
        %mul3A_305 = arith.muli %scan3A_185, %mul3A_304 : i32
        %add3A_306 = arith.constant 2 : i32
        %add3A_307 = arith.addi %mul3A_305, %add3A_306 : i32
        %get3A_308 = arith.index_cast %add3A_307 : i32 to index
        %get3A_309 = arith.constant 0 : index
        %get3A_310 = tpu.vector_load %arg8[%get3A_308, %get3A_309] {strides = array<i32>} : memref<100x128xf32, #tpu.memory_space<vmem>>, vector<1x16xf32>,
        %get3A_311 = vector.shape_cast %get3A_310 : vector<1x16xf32> to vector<16xf32>
        %mul3A_312 = arith.constant 8.000000e+00 : f32
        %mul3A_313 = vector.broadcast %mul3A_312 : f32 to vector<16xf32>
        %mul3A_314 = arith.mulf %get3A_311, %mul3A_313 : vector<16xf32>
        %add3A_315 = arith.constant 100 : i32
        %add3A_316 = arith.addi %add3A_315, %add3A_307 : i32
        %swap3A_317 = arith.index_cast %add3A_316 : i32 to index
        %swap3A_318 = arith.constant 0 : index
        %swap3A_319 = tpu.vector_load %arg11[%swap3A_317, %swap3A_318] {strides = array<i32>} : memref<200x64xf32, #tpu.memory_space<vmem>>, vector<1x16xf32>,
        %swap3A_320 = vector.shape_cast %swap3A_319 : vector<1x16xf32> to vector<16xf32>
        %swap3A_321 = vector.shape_cast %mul3A_314 : vector<16xf32> to vector<1x16xf32>
        tpu.vector_store %arg11[%swap3A_317, %swap3A_318], %swap3A_321 {strides = array<i32>} : memref<200x64xf32, #tpu.memory_space<vmem>>, vector<1x16xf32>,
        %get3A_322 = arith.index_cast %add3A_307 : i32 to index
        %get3A_323 = arith.constant 16 : index
        %get3A_324 = tpu.vector_load %arg8[%get3A_322, %get3A_323] {strides = array<i32>} : memref<100x128xf32, #tpu.memory_space<vmem>>, vector<1x16xf32>,
        %get3A_325 = vector.shape_cast %get3A_324 : vector<1x16xf32> to vector<16xf32>
        %mul3A_326 = arith.constant 8.000000e+00 : f32
        %mul3A_327 = vector.broadcast %mul3A_326 : f32 to vector<16xf32>
        %mul3A_328 = arith.mulf %get3A_325, %mul3A_327 : vector<16xf32>
        %add3A_329 = arith.constant 100 : i32
        %add3A_330 = arith.addi %add3A_329, %add3A_307 : i32
        %swap3A_331 = arith.index_cast %add3A_330 : i32 to index
        %swap3A_332 = arith.constant 16 : index
        %swap3A_333 = tpu.vector_load %arg11[%swap3A_331, %swap3A_332] {strides = array<i32>} : memref<200x64xf32, #tpu.memory_space<vmem>>, vector<1x16xf32>,
        %swap3A_334 = vector.shape_cast %swap3A_333 : vector<1x16xf32> to vector<16xf32>
        %swap3A_335 = vector.shape_cast %mul3A_328 : vector<16xf32> to vector<1x16xf32>
        tpu.vector_store %arg11[%swap3A_331, %swap3A_332], %swap3A_335 {strides = array<i32>} : memref<200x64xf32, #tpu.memory_space<vmem>>, vector<1x16xf32>,
        %get3A_336 = arith.index_cast %add3A_307 : i32 to index
        %get3A_337 = arith.constant 32 : index
        %get3A_338 = tpu.vector_load %arg8[%get3A_336, %get3A_337] {strides = array<i32>} : memref<100x128xf32, #tpu.memory_space<vmem>>, vector<1x16xf32>,
        %get3A_339 = vector.shape_cast %get3A_338 : vector<1x16xf32> to vector<16xf32>
        %mul3A_340 = arith.constant 8.000000e+00 : f32
        %mul3A_341 = vector.broadcast %mul3A_340 : f32 to vector<16xf32>
        %mul3A_342 = arith.mulf %get3A_339, %mul3A_341 : vector<16xf32>
        %add3A_343 = arith.constant 100 : i32
        %add3A_344 = arith.addi %add3A_343, %add3A_307 : i32
        %swap3A_345 = arith.index_cast %add3A_344 : i32 to index
        %swap3A_346 = arith.constant 32 : index
        %swap3A_347 = tpu.vector_load %arg11[%swap3A_345, %swap3A_346] {strides = array<i32>} : memref<200x64xf32, #tpu.memory_space<vmem>>, vector<1x16xf32>,
        %swap3A_348 = vector.shape_cast %swap3A_347 : vector<1x16xf32> to vector<16xf32>
        %swap3A_349 = vector.shape_cast %mul3A_342 : vector<16xf32> to vector<1x16xf32>
        tpu.vector_store %arg11[%swap3A_345, %swap3A_346], %swap3A_349 {strides = array<i32>} : memref<200x64xf32, #tpu.memory_space<vmem>>, vector<1x16xf32>,
        %get3A_350 = arith.index_cast %add3A_307 : i32 to index
        %get3A_351 = arith.constant 48 : index
        %get3A_352 = tpu.vector_load %arg8[%get3A_350, %get3A_351] {strides = array<i32>} : memref<100x128xf32, #tpu.memory_space<vmem>>, vector<1x16xf32>,
        %get3A_353 = vector.shape_cast %get3A_352 : vector<1x16xf32> to vector<16xf32>
        %mul3A_354 = arith.constant 8.000000e+00 : f32
        %mul3A_355 = vector.broadcast %mul3A_354 : f32 to vector<16xf32>
        %mul3A_356 = arith.mulf %get3A_353, %mul3A_355 : vector<16xf32>
        %add3A_357 = arith.constant 100 : i32
        %add3A_358 = arith.addi %add3A_357, %add3A_307 : i32
        %swap3A_359 = arith.index_cast %add3A_358 : i32 to index
        %swap3A_360 = arith.constant 48 : index
        %swap3A_361 = tpu.vector_load %arg11[%swap3A_359, %swap3A_360] {strides = array<i32>} : memref<200x64xf32, #tpu.memory_space<vmem>>, vector<1x16xf32>,
        %swap3A_362 = vector.shape_cast %swap3A_361 : vector<1x16xf32> to vector<16xf32>
        %swap3A_363 = vector.shape_cast %mul3A_356 : vector<16xf32> to vector<1x16xf32>
        tpu.vector_store %arg11[%swap3A_359, %swap3A_360], %swap3A_363 {strides = array<i32>} : memref<200x64xf32, #tpu.memory_space<vmem>>, vector<1x16xf32>,
        %mul3A_364 = arith.constant 4 : i32
        %mul3A_365 = arith.muli %scan3A_185, %mul3A_364 : i32
        %add3A_366 = arith.constant 3 : i32
        %add3A_367 = arith.addi %mul3A_365, %add3A_366 : i32
        %get3A_368 = arith.index_cast %add3A_367 : i32 to index
        %get3A_369 = arith.constant 0 : index
        %get3A_370 = tpu.vector_load %arg8[%get3A_368, %get3A_369] {strides = array<i32>} : memref<100x128xf32, #tpu.memory_space<vmem>>, vector<1x16xf32>,
        %get3A_371 = vector.shape_cast %get3A_370 : vector<1x16xf32> to vector<16xf32>
        %mul3A_372 = arith.constant 8.000000e+00 : f32
        %mul3A_373 = vector.broadcast %mul3A_372 : f32 to vector<16xf32>
        %mul3A_374 = arith.mulf %get3A_371, %mul3A_373 : vector<16xf32>
        %add3A_375 = arith.constant 100 : i32
        %add3A_376 = arith.addi %add3A_375, %add3A_367 : i32
        %swap3A_377 = arith.index_cast %add3A_376 : i32 to index
        %swap3A_378 = arith.constant 0 : index
        %swap3A_379 = tpu.vector_load %arg11[%swap3A_377, %swap3A_378] {strides = array<i32>} : memref<200x64xf32, #tpu.memory_space<vmem>>, vector<1x16xf32>,
        %swap3A_380 = vector.shape_cast %swap3A_379 : vector<1x16xf32> to vector<16xf32>
        %swap3A_381 = vector.shape_cast %mul3A_374 : vector<16xf32> to vector<1x16xf32>
        tpu.vector_store %arg11[%swap3A_377, %swap3A_378], %swap3A_381 {strides = array<i32>} : memref<200x64xf32, #tpu.memory_space<vmem>>, vector<1x16xf32>,
        %get3A_382 = arith.index_cast %add3A_367 : i32 to index
        %get3A_383 = arith.constant 16 : index
        %get3A_384 = tpu.vector_load %arg8[%get3A_382, %get3A_383] {strides = array<i32>} : memref<100x128xf32, #tpu.memory_space<vmem>>, vector<1x16xf32>,
        %get3A_385 = vector.shape_cast %get3A_384 : vector<1x16xf32> to vector<16xf32>
        %mul3A_386 = arith.constant 8.000000e+00 : f32
        %mul3A_387 = vector.broadcast %mul3A_386 : f32 to vector<16xf32>
        %mul3A_388 = arith.mulf %get3A_385, %mul3A_387 : vector<16xf32>
        %add3A_389 = arith.constant 100 : i32
        %add3A_390 = arith.addi %add3A_389, %add3A_367 : i32
        %swap3A_391 = arith.index_cast %add3A_390 : i32 to index
        %swap3A_392 = arith.constant 16 : index
        %swap3A_393 = tpu.vector_load %arg11[%swap3A_391, %swap3A_392] {strides = array<i32>} : memref<200x64xf32, #tpu.memory_space<vmem>>, vector<1x16xf32>,
        %swap3A_394 = vector.shape_cast %swap3A_393 : vector<1x16xf32> to vector<16xf32>
        %swap3A_395 = vector.shape_cast %mul3A_388 : vector<16xf32> to vector<1x16xf32>
        tpu.vector_store %arg11[%swap3A_391, %swap3A_392], %swap3A_395 {strides = array<i32>} : memref<200x64xf32, #tpu.memory_space<vmem>>, vector<1x16xf32>,
        %get3A_396 = arith.index_cast %add3A_367 : i32 to index
        %get3A_397 = arith.constant 32 : index
        %get3A_398 = tpu.vector_load %arg8[%get3A_396, %get3A_397] {strides = array<i32>} : memref<100x128xf32, #tpu.memory_space<vmem>>, vector<1x16xf32>,
        %get3A_399 = vector.shape_cast %get3A_398 : vector<1x16xf32> to vector<16xf32>
        %mul3A_400 = arith.constant 8.000000e+00 : f32
        %mul3A_401 = vector.broadcast %mul3A_400 : f32 to vector<16xf32>
        %mul3A_402 = arith.mulf %get3A_399, %mul3A_401 : vector<16xf32>
        %add3A_403 = arith.constant 100 : i32
        %add3A_404 = arith.addi %add3A_403, %add3A_367 : i32
        %swap3A_405 = arith.index_cast %add3A_404 : i32 to index
        %swap3A_406 = arith.constant 32 : index
        %swap3A_407 = tpu.vector_load %arg11[%swap3A_405, %swap3A_406] {strides = array<i32>} : memref<200x64xf32, #tpu.memory_space<vmem>>, vector<1x16xf32>,
        %swap3A_408 = vector.shape_cast %swap3A_407 : vector<1x16xf32> to vector<16xf32>
        %swap3A_409 = vector.shape_cast %mul3A_402 : vector<16xf32> to vector<1x16xf32>
        tpu.vector_store %arg11[%swap3A_405, %swap3A_406], %swap3A_409 {strides = array<i32>} : memref<200x64xf32, #tpu.memory_space<vmem>>, vector<1x16xf32>,
        %get3A_410 = arith.index_cast %add3A_367 : i32 to index
        %get3A_411 = arith.constant 48 : index
        %get3A_412 = tpu.vector_load %arg8[%get3A_410, %get3A_411] {strides = array<i32>} : memref<100x128xf32, #tpu.memory_space<vmem>>, vector<1x16xf32>,
        %get3A_413 = vector.shape_cast %get3A_412 : vector<1x16xf32> to vector<16xf32>
        %mul3A_414 = arith.constant 8.000000e+00 : f32
        %mul3A_415 = vector.broadcast %mul3A_414 : f32 to vector<16xf32>
        %mul3A_416 = arith.mulf %get3A_413, %mul3A_415 : vector<16xf32>
        %add3A_417 = arith.constant 100 : i32
        %add3A_418 = arith.addi %add3A_417, %add3A_367 : i32
        %swap3A_419 = arith.index_cast %add3A_418 : i32 to index
        %swap3A_420 = arith.constant 48 : index
        %swap3A_421 = tpu.vector_load %arg11[%swap3A_419, %swap3A_420] {strides = array<i32>} : memref<200x64xf32, #tpu.memory_space<vmem>>, vector<1x16xf32>,
        %swap3A_422 = vector.shape_cast %swap3A_421 : vector<1x16xf32> to vector<16xf32>
        %swap3A_423 = vector.shape_cast %mul3A_416 : vector<16xf32> to vector<1x16xf32>
        tpu.vector_store %arg11[%swap3A_419, %swap3A_420], %swap3A_423 {strides = array<i32>} : memref<200x64xf32, #tpu.memory_space<vmem>>, vector<1x16xf32>,
      }
      %scan3A_116 = arith.constant 25 : i32
      %lt3A_117 = arith.constant 63 : i32
      %lt3A_118 = arith.cmpi slt, %scan3A_58, %lt3A_117 : i32
      %convert_element_type3A_119 = arith.extui %lt3A_118 : i1 to i32
      %cond3A_120 = arith.constant 0 : i32
      %cond3A_121 = arith.cmpi ne, %convert_element_type3A_119, %cond3A_120 : i32
      scf.if %cond3A_121 {
        %add3A_185 = arith.constant 1 : i32
        %add3A_186 = arith.addi %scan3A_58, %add3A_185 : i32
        %mul3A_187 = arith.constant 4 : i32
        %mul3A_188 = arith.muli %mul3A_187, %add3A_186 : i32
        %add3A_189 = arith.constant 1 : i32
        %add3A_190 = arith.addi %mul3A_188, %add3A_189 : i32
        %jit3A_191 = arith.constant 64 : i32
        %div3A = arith.divsi %add3A_190, %jit3A_191 : i32
        %sign3A = arith.constant 0 : i32
        %sign3A_192 = arith.cmpi sgt, %add3A_190, %sign3A : i32
        %sign3A_193 = arith.extui %sign3A_192 : i1 to i32
        %sign3A_194 = arith.constant 0 : i32
        %sign3A_195 = arith.cmpi slt, %add3A_190, %sign3A_194 : i32
        %sign3A_196 = arith.extui %sign3A_195 : i1 to i32
        %sign3A_197 = arith.subi %sign3A_193, %sign3A_196 : i32
        %sign3A_198 = arith.constant 0 : i32
        %sign3A_199 = arith.cmpi sgt, %jit3A_191, %sign3A_198 : i32
        %sign3A_200 = arith.extui %sign3A_199 : i1 to i32
        %sign3A_201 = arith.constant 0 : i32
        %sign3A_202 = arith.cmpi slt, %jit3A_191, %sign3A_201 : i32
        %sign3A_203 = arith.extui %sign3A_202 : i1 to i32
        %sign3A_204 = arith.subi %sign3A_200, %sign3A_203 : i32
        %ne3A_205 = arith.cmpi ne, %sign3A_197, %sign3A_204 : i32
        %rem3A_206 = arith.remsi %add3A_190, %jit3A_191 : i32
        %ne3A_207 = arith.constant 0 : i32
        %ne3A_208 = arith.cmpi ne, %rem3A_206, %ne3A_207 : i32
        %and3A_209 = arith.andi %ne3A_205, %ne3A_208 : i1
        %sub3A = arith.constant 1 : i32
        %sub3A_210 = arith.subi %div3A, %sub3A : i32
        %select_n3A_211 = arith.select %and3A_209, %sub3A_210, %div3A : i32
        %jit3A_212 = arith.constant 2 : i32
        %eq3A_213 = arith.constant 0 : i32
        %eq3A_214 = arith.cmpi eq, %jit3A_212, %eq3A_213 : i32
        %jit3A_215 = arith.constant 1 : i32
        %select_n3A_216 = arith.select %eq3A_214, %jit3A_215, %jit3A_212 : i32
        %rem3A_217 = arith.remsi %select_n3A_211, %select_n3A_216 : i32
        %ne3A_218 = arith.constant 0 : i32
        %ne3A_219 = arith.cmpi ne, %rem3A_217, %ne3A_218 : i32
        %lt3A_220 = arith.constant 0 : i32
        %lt3A_221 = arith.cmpi slt, %rem3A_217, %lt3A_220 : i32
        %lt3A_222 = arith.constant 0 : i32
        %lt3A_223 = arith.cmpi slt, %select_n3A_216, %lt3A_222 : i32
        %ne3A_224 = arith.xori %lt3A_221, %lt3A_223 : i1
        %and3A_225 = arith.andi %ne3A_224, %ne3A_219 : i1
        %add3A_226 = arith.addi %rem3A_217, %select_n3A_216 : i32
        %select_n3A_227 = arith.select %and3A_225, %add3A_226, %rem3A_217 : i32
        %eq3A_228 = arith.constant 0 : i32
        %eq3A_229 = arith.cmpi eq, %select_n3A_227, %eq3A_228 : i32
        %convert_element_type3A_230 = arith.extui %eq3A_229 : i1 to i32
        %cond3A_231 = arith.constant 0 : i32
        %cond3A_232 = arith.cmpi ne, %convert_element_type3A_230, %cond3A_231 : i32
        scf.if %cond3A_232 {
          %jit3A_278 = arith.constant 64 : i32
          %eq3A_279 = arith.constant 0 : i32
          %eq3A_280 = arith.cmpi eq, %jit3A_278, %eq3A_279 : i32
          %jit3A_281 = arith.constant 1 : i32
          %select_n3A_282 = arith.select %eq3A_280, %jit3A_281, %jit3A_278 : i32
          %rem3A_283 = arith.remsi %add3A_190, %select_n3A_282 : i32
          %ne3A_284 = arith.constant 0 : i32
          %ne3A_285 = arith.cmpi ne, %rem3A_283, %ne3A_284 : i32
          %lt3A_286 = arith.constant 0 : i32
          %lt3A_287 = arith.cmpi slt, %rem3A_283, %lt3A_286 : i32
          %lt3A_288 = arith.constant 0 : i32
          %lt3A_289 = arith.cmpi slt, %select_n3A_282, %lt3A_288 : i32
          %ne3A_290 = arith.xori %lt3A_287, %lt3A_289 : i1
          %and3A_291 = arith.andi %ne3A_290, %ne3A_285 : i1
          %add3A_292 = arith.addi %rem3A_283, %select_n3A_282 : i32
          %select_n3A_293 = arith.select %and3A_291, %add3A_292, %rem3A_283 : i32
          %dma_start3A_294 = arith.constant 0 : i32
          %dma_start3A_295 = tpu.memref_slice %arg5[%select_n3A_293, %dma_start3A_294] : memref<64x100xi32, #tpu.memory_space<vmem>> -> memref<1x100xi32, #tpu.memory_space<vmem>>
          %dma_start3A_296 = tpu.memref_squeeze %dma_start3A_295 : memref<1x100xi32, #tpu.memory_space<vmem>> -> memref<100xi32, #tpu.memory_space<vmem>>
          %dma_start3A_297 = arith.constant 0 : i32
          %dma_start3A_298 = arith.constant 0 : i32
          %dma_start3A_299 = tpu.memref_slice %arg3[%dma_start3A_297, %dma_start3A_298] : memref<1000000x128xf32, #tpu.memory_space<hbm>> -> memref<1000000x128xf32, #tpu.memory_space<hbm>>
          tpu.enqueue_indirect_dma source(%dma_start3A_299 : memref<1000000x128xf32, #tpu.memory_space<hbm>>) target(%arg8 : memref<100x128xf32, #tpu.memory_space<vmem>>) offsets(%dma_start3A_296 : memref<100xi32, #tpu.memory_space<vmem>>) semaphore(%arg14 : memref<!tpu.dma_semaphore, #tpu.memory_space<semaphore_mem>>)
        } else {
        }
        %jit3A_233 = arith.constant 64 : i32
        %div3A_234 = arith.divsi %add3A_190, %jit3A_233 : i32
        %sign3A_235 = arith.constant 0 : i32
        %sign3A_236 = arith.cmpi sgt, %add3A_190, %sign3A_235 : i32
        %sign3A_237 = arith.extui %sign3A_236 : i1 to i32
        %sign3A_238 = arith.constant 0 : i32
        %sign3A_239 = arith.cmpi slt, %add3A_190, %sign3A_238 : i32
        %sign3A_240 = arith.extui %sign3A_239 : i1 to i32
        %sign3A_241 = arith.subi %sign3A_237, %sign3A_240 : i32
        %sign3A_242 = arith.constant 0 : i32
        %sign3A_243 = arith.cmpi sgt, %jit3A_233, %sign3A_242 : i32
        %sign3A_244 = arith.extui %sign3A_243 : i1 to i32
        %sign3A_245 = arith.constant 0 : i32
        %sign3A_246 = arith.cmpi slt, %jit3A_233, %sign3A_245 : i32
        %sign3A_247 = arith.extui %sign3A_246 : i1 to i32
        %sign3A_248 = arith.subi %sign3A_244, %sign3A_247 : i32
        %ne3A_249 = arith.cmpi ne, %sign3A_241, %sign3A_248 : i32
        %rem3A_250 = arith.remsi %add3A_190, %jit3A_233 : i32
        %ne3A_251 = arith.constant 0 : i32
        %ne3A_252 = arith.cmpi ne, %rem3A_250, %ne3A_251 : i32
        %and3A_253 = arith.andi %ne3A_249, %ne3A_252 : i1
        %sub3A_254 = arith.constant 1 : i32
        %sub3A_255 = arith.subi %div3A_234, %sub3A_254 : i32
        %select_n3A_256 = arith.select %and3A_253, %sub3A_255, %div3A_234 : i32
        %jit3A_257 = arith.constant 2 : i32
        %eq3A_258 = arith.constant 0 : i32
        %eq3A_259 = arith.cmpi eq, %jit3A_257, %eq3A_258 : i32
        %jit3A_260 = arith.constant 1 : i32
        %select_n3A_261 = arith.select %eq3A_259, %jit3A_260, %jit3A_257 : i32
        %rem3A_262 = arith.remsi %select_n3A_256, %select_n3A_261 : i32
        %ne3A_263 = arith.constant 0 : i32
        %ne3A_264 = arith.cmpi ne, %rem3A_262, %ne3A_263 : i32
        %lt3A_265 = arith.constant 0 : i32
        %lt3A_266 = arith.cmpi slt, %rem3A_262, %lt3A_265 : i32
        %lt3A_267 = arith.constant 0 : i32
        %lt3A_268 = arith.cmpi slt, %select_n3A_261, %lt3A_267 : i32
        %ne3A_269 = arith.xori %lt3A_266, %lt3A_268 : i1
        %and3A_270 = arith.andi %ne3A_269, %ne3A_264 : i1
        %add3A_271 = arith.addi %rem3A_262, %select_n3A_261 : i32
        %select_n3A_272 = arith.select %and3A_270, %add3A_271, %rem3A_262 : i32
        %eq3A_273 = arith.constant 1 : i32
        %eq3A_274 = arith.cmpi eq, %select_n3A_272, %eq3A_273 : i32
        %convert_element_type3A_275 = arith.extui %eq3A_274 : i1 to i32
        %cond3A_276 = arith.constant 0 : i32
        %cond3A_277 = arith.cmpi ne, %convert_element_type3A_275, %cond3A_276 : i32
        scf.if %cond3A_277 {
          %jit3A_278 = arith.constant 64 : i32
          %eq3A_279 = arith.constant 0 : i32
          %eq3A_280 = arith.cmpi eq, %jit3A_278, %eq3A_279 : i32
          %jit3A_281 = arith.constant 1 : i32
          %select_n3A_282 = arith.select %eq3A_280, %jit3A_281, %jit3A_278 : i32
          %rem3A_283 = arith.remsi %add3A_190, %select_n3A_282 : i32
          %ne3A_284 = arith.constant 0 : i32
          %ne3A_285 = arith.cmpi ne, %rem3A_283, %ne3A_284 : i32
          %lt3A_286 = arith.constant 0 : i32
          %lt3A_287 = arith.cmpi slt, %rem3A_283, %lt3A_286 : i32
          %lt3A_288 = arith.constant 0 : i32
          %lt3A_289 = arith.cmpi slt, %select_n3A_282, %lt3A_288 : i32
          %ne3A_290 = arith.xori %lt3A_287, %lt3A_289 : i1
          %and3A_291 = arith.andi %ne3A_290, %ne3A_285 : i1
          %add3A_292 = arith.addi %rem3A_283, %select_n3A_282 : i32
          %select_n3A_293 = arith.select %and3A_291, %add3A_292, %rem3A_283 : i32
          %dma_start3A_294 = arith.constant 0 : i32
          %dma_start3A_295 = tpu.memref_slice %arg6[%select_n3A_293, %dma_start3A_294] : memref<64x100xi32, #tpu.memory_space<vmem>> -> memref<1x100xi32, #tpu.memory_space<vmem>>
          %dma_start3A_296 = tpu.memref_squeeze %dma_start3A_295 : memref<1x100xi32, #tpu.memory_space<vmem>> -> memref<100xi32, #tpu.memory_space<vmem>>
          %dma_start3A_297 = arith.constant 0 : i32
          %dma_start3A_298 = arith.constant 0 : i32
          %dma_start3A_299 = tpu.memref_slice %arg3[%dma_start3A_297, %dma_start3A_298] : memref<1000000x128xf32, #tpu.memory_space<hbm>> -> memref<1000000x128xf32, #tpu.memory_space<hbm>>
          tpu.enqueue_indirect_dma source(%dma_start3A_299 : memref<1000000x128xf32, #tpu.memory_space<hbm>>) target(%arg8 : memref<100x128xf32, #tpu.memory_space<vmem>>) offsets(%dma_start3A_296 : memref<100xi32, #tpu.memory_space<vmem>>) semaphore(%arg14 : memref<!tpu.dma_semaphore, #tpu.memory_space<semaphore_mem>>)
        } else {
        }
      } else {
      }
      %add3A_122 = arith.addi %mul3A_4, %add3A_81 : i32
      %dma_start3A_123 = arith.constant 0 : i32
      %dma_start3A_124 = arith.constant 0 : i32
      %dma_start3A_125 = tpu.memref_slice %arg4[%add3A_122, %dma_start3A_123, %dma_start3A_124] : memref<4096x200x64xf32, #tpu.memory_space<hbm>> -> memref<1x200x64xf32, #tpu.memory_space<hbm>>
      %dma_start3A_126 = tpu.memref_squeeze %dma_start3A_125 : memref<1x200x64xf32, #tpu.memory_space<hbm>> -> memref<200x64xf32, #tpu.memory_space<hbm>>
      %dma_start3A_127 = arith.constant 0 : i32
      %dma_start3A_128 = arith.constant 0 : i32
      %dma_start3A_129 = tpu.memref_slice %arg4[%add3A_122, %dma_start3A_127, %dma_start3A_128] : memref<4096x200x64xf32, #tpu.memory_space<hbm>> -> memref<1x200x64xf32, #tpu.memory_space<hbm>>
      %dma_start3A_130 = tpu.memref_squeeze %dma_start3A_129 : memref<1x200x64xf32, #tpu.memory_space<hbm>> -> memref<200x64xf32, #tpu.memory_space<hbm>>
      tpu.enqueue_dma source(%arg11 : memref<200x64xf32, #tpu.memory_space<vmem>>) target(%dma_start3A_130 : memref<200x64xf32, #tpu.memory_space<hbm>>) target_semaphore(%arg17 : memref<!tpu.dma_semaphore, #tpu.memory_space<semaphore_mem>>)
      %mul3A_131 = arith.constant 2 : i32
      %mul3A_132 = arith.muli %scan3A_58, %mul3A_131 : i32
      %add3A_133 = arith.constant 1 : i32
      %add3A_134 = arith.addi %mul3A_132, %add3A_133 : i32
      %ge3A_135 = arith.constant 1 : i32
      %ge3A_136 = arith.cmpi sge, %scan3A_58, %ge3A_135 : i32
      %convert_element_type3A_137 = arith.extui %ge3A_136 : i1 to i32
      %cond3A_138 = arith.constant 0 : i32
      %cond3A_139 = arith.cmpi ne, %convert_element_type3A_137, %cond3A_138 : i32
      scf.if %cond3A_139 {
        %add3A_185 = arith.addi %mul3A_4, %add3A_134 : i32
        %dma_wait3A_186 = arith.constant 0 : i32
        %dma_wait3A_187 = arith.constant 0 : i32
        %dma_wait3A_188 = tpu.memref_slice %arg4[%add3A_185, %dma_wait3A_186, %dma_wait3A_187] : memref<4096x200x64xf32, #tpu.memory_space<hbm>> -> memref<1x200x64xf32, #tpu.memory_space<hbm>>
        %dma_wait3A_189 = tpu.memref_squeeze %dma_wait3A_188 : memref<1x200x64xf32, #tpu.memory_space<hbm>> -> memref<200x64xf32, #tpu.memory_space<hbm>>
        %dma_wait3A_190 = arith.constant 0 : i32
        %dma_wait3A_191 = arith.constant 0 : i32
        %dma_wait3A_192 = tpu.memref_slice %arg4[%add3A_185, %dma_wait3A_190, %dma_wait3A_191] : memref<4096x200x64xf32, #tpu.memory_space<hbm>> -> memref<1x200x64xf32, #tpu.memory_space<hbm>>
        %dma_wait3A_193 = tpu.memref_squeeze %dma_wait3A_192 : memref<1x200x64xf32, #tpu.memory_space<hbm>> -> memref<200x64xf32, #tpu.memory_space<hbm>>
        tpu.wait_dma2 semaphore(%arg18 : memref<!tpu.dma_semaphore, #tpu.memory_space<semaphore_mem>>) src(%arg12 : memref<200x64xf32, #tpu.memory_space<vmem>>) dst(%dma_wait3A_193 : memref<200x64xf32, #tpu.memory_space<hbm>>)
      } else {
      }
      %dma_wait3A_140 = arith.constant 0 : i32
      %dma_wait3A_141 = arith.constant 0 : i32
      %dma_wait3A_142 = tpu.memref_slice %arg5[%dma_wait3A_140, %dma_wait3A_141] : memref<64x100xi32, #tpu.memory_space<vmem>> -> memref<1x100xi32, #tpu.memory_space<vmem>>
      %dma_wait3A_143 = tpu.memref_squeeze %dma_wait3A_142 : memref<1x100xi32, #tpu.memory_space<vmem>> -> memref<100xi32, #tpu.memory_space<vmem>>
      %dma_wait3A_144 = arith.constant 0 : i32
      %dma_wait3A_145 = arith.constant 0 : i32
      %dma_wait3A_146 = tpu.memref_slice %arg3[%dma_wait3A_144, %dma_wait3A_145] : memref<1000000x128xf32, #tpu.memory_space<hbm>> -> memref<1000000x128xf32, #tpu.memory_space<hbm>>
      tpu.wait_indirect_dma semaphore(%arg15 : memref<!tpu.dma_semaphore, #tpu.memory_space<semaphore_mem>>) src(%dma_wait3A_146 : memref<1000000x128xf32, #tpu.memory_space<hbm>>) dst(%arg9 : memref<100x128xf32, #tpu.memory_space<vmem>>)
      %scan3A_147 = arith.constant 0 : i32
      %scan3A_148 = arith.constant 0 : i32
      %scan3A_149 = arith.constant 25 : i32
      %scan3A_150 = arith.addi %scan3A_148, %scan3A_149 : i32
      %scan3A_151 = arith.constant 1 : i32
      scf.for %scan3A_185 = %scan3A_148 to %scan3A_150 step %scan3A_151  : i32 {
        %mul3A_186 = arith.constant 4 : i32
        %mul3A_187 = arith.muli %scan3A_185, %mul3A_186 : i32
        %add3A_188 = arith.constant 0 : i32
        %add3A_189 = arith.addi %mul3A_187, %add3A_188 : i32
        %get3A = arith.index_cast %add3A_189 : i32 to index
        %get3A_190 = arith.constant 0 : index
        %get3A_191 = tpu.vector_load %arg9[%get3A, %get3A_190] {strides = array<i32>} : memref<100x128xf32, #tpu.memory_space<vmem>>, vector<1x16xf32>,
        %get3A_192 = vector.shape_cast %get3A_191 : vector<1x16xf32> to vector<16xf32>
        %mul3A_193 = arith.constant 8.000000e+00 : f32
        %mul3A_194 = vector.broadcast %mul3A_193 : f32 to vector<16xf32>
        %mul3A_195 = arith.mulf %get3A_192, %mul3A_194 : vector<16xf32>
        %add3A_196 = arith.constant 0 : i32
        %add3A_197 = arith.addi %add3A_196, %add3A_189 : i32
        %swap3A = arith.index_cast %add3A_197 : i32 to index
        %swap3A_198 = arith.constant 0 : index
        %swap3A_199 = tpu.vector_load %arg12[%swap3A, %swap3A_198] {strides = array<i32>} : memref<200x64xf32, #tpu.memory_space<vmem>>, vector<1x16xf32>,
        %swap3A_200 = vector.shape_cast %swap3A_199 : vector<1x16xf32> to vector<16xf32>
        %swap3A_201 = vector.shape_cast %mul3A_195 : vector<16xf32> to vector<1x16xf32>
        tpu.vector_store %arg12[%swap3A, %swap3A_198], %swap3A_201 {strides = array<i32>} : memref<200x64xf32, #tpu.memory_space<vmem>>, vector<1x16xf32>,
        %get3A_202 = arith.index_cast %add3A_189 : i32 to index
        %get3A_203 = arith.constant 16 : index
        %get3A_204 = tpu.vector_load %arg9[%get3A_202, %get3A_203] {strides = array<i32>} : memref<100x128xf32, #tpu.memory_space<vmem>>, vector<1x16xf32>,
        %get3A_205 = vector.shape_cast %get3A_204 : vector<1x16xf32> to vector<16xf32>
        %mul3A_206 = arith.constant 8.000000e+00 : f32
        %mul3A_207 = vector.broadcast %mul3A_206 : f32 to vector<16xf32>
        %mul3A_208 = arith.mulf %get3A_205, %mul3A_207 : vector<16xf32>
        %add3A_209 = arith.constant 0 : i32
        %add3A_210 = arith.addi %add3A_209, %add3A_189 : i32
        %swap3A_211 = arith.index_cast %add3A_210 : i32 to index
        %swap3A_212 = arith.constant 16 : index
        %swap3A_213 = tpu.vector_load %arg12[%swap3A_211, %swap3A_212] {strides = array<i32>} : memref<200x64xf32, #tpu.memory_space<vmem>>, vector<1x16xf32>,
        %swap3A_214 = vector.shape_cast %swap3A_213 : vector<1x16xf32> to vector<16xf32>
        %swap3A_215 = vector.shape_cast %mul3A_208 : vector<16xf32> to vector<1x16xf32>
        tpu.vector_store %arg12[%swap3A_211, %swap3A_212], %swap3A_215 {strides = array<i32>} : memref<200x64xf32, #tpu.memory_space<vmem>>, vector<1x16xf32>,
        %get3A_216 = arith.index_cast %add3A_189 : i32 to index
        %get3A_217 = arith.constant 32 : index
        %get3A_218 = tpu.vector_load %arg9[%get3A_216, %get3A_217] {strides = array<i32>} : memref<100x128xf32, #tpu.memory_space<vmem>>, vector<1x16xf32>,
        %get3A_219 = vector.shape_cast %get3A_218 : vector<1x16xf32> to vector<16xf32>
        %mul3A_220 = arith.constant 8.000000e+00 : f32
        %mul3A_221 = vector.broadcast %mul3A_220 : f32 to vector<16xf32>
        %mul3A_222 = arith.mulf %get3A_219, %mul3A_221 : vector<16xf32>
        %add3A_223 = arith.constant 0 : i32
        %add3A_224 = arith.addi %add3A_223, %add3A_189 : i32
        %swap3A_225 = arith.index_cast %add3A_224 : i32 to index
        %swap3A_226 = arith.constant 32 : index
        %swap3A_227 = tpu.vector_load %arg12[%swap3A_225, %swap3A_226] {strides = array<i32>} : memref<200x64xf32, #tpu.memory_space<vmem>>, vector<1x16xf32>,
        %swap3A_228 = vector.shape_cast %swap3A_227 : vector<1x16xf32> to vector<16xf32>
        %swap3A_229 = vector.shape_cast %mul3A_222 : vector<16xf32> to vector<1x16xf32>
        tpu.vector_store %arg12[%swap3A_225, %swap3A_226], %swap3A_229 {strides = array<i32>} : memref<200x64xf32, #tpu.memory_space<vmem>>, vector<1x16xf32>,
        %get3A_230 = arith.index_cast %add3A_189 : i32 to index
        %get3A_231 = arith.constant 48 : index
        %get3A_232 = tpu.vector_load %arg9[%get3A_230, %get3A_231] {strides = array<i32>} : memref<100x128xf32, #tpu.memory_space<vmem>>, vector<1x16xf32>,
        %get3A_233 = vector.shape_cast %get3A_232 : vector<1x16xf32> to vector<16xf32>
        %mul3A_234 = arith.constant 8.000000e+00 : f32
        %mul3A_235 = vector.broadcast %mul3A_234 : f32 to vector<16xf32>
        %mul3A_236 = arith.mulf %get3A_233, %mul3A_235 : vector<16xf32>
        %add3A_237 = arith.constant 0 : i32
        %add3A_238 = arith.addi %add3A_237, %add3A_189 : i32
        %swap3A_239 = arith.index_cast %add3A_238 : i32 to index
        %swap3A_240 = arith.constant 48 : index
        %swap3A_241 = tpu.vector_load %arg12[%swap3A_239, %swap3A_240] {strides = array<i32>} : memref<200x64xf32, #tpu.memory_space<vmem>>, vector<1x16xf32>,
        %swap3A_242 = vector.shape_cast %swap3A_241 : vector<1x16xf32> to vector<16xf32>
        %swap3A_243 = vector.shape_cast %mul3A_236 : vector<16xf32> to vector<1x16xf32>
        tpu.vector_store %arg12[%swap3A_239, %swap3A_240], %swap3A_243 {strides = array<i32>} : memref<200x64xf32, #tpu.memory_space<vmem>>, vector<1x16xf32>,
        %mul3A_244 = arith.constant 4 : i32
        %mul3A_245 = arith.muli %scan3A_185, %mul3A_244 : i32
        %add3A_246 = arith.constant 1 : i32
        %add3A_247 = arith.addi %mul3A_245, %add3A_246 : i32
        %get3A_248 = arith.index_cast %add3A_247 : i32 to index
        %get3A_249 = arith.constant 0 : index
        %get3A_250 = tpu.vector_load %arg9[%get3A_248, %get3A_249] {strides = array<i32>} : memref<100x128xf32, #tpu.memory_space<vmem>>, vector<1x16xf32>,
        %get3A_251 = vector.shape_cast %get3A_250 : vector<1x16xf32> to vector<16xf32>
        %mul3A_252 = arith.constant 8.000000e+00 : f32
        %mul3A_253 = vector.broadcast %mul3A_252 : f32 to vector<16xf32>
        %mul3A_254 = arith.mulf %get3A_251, %mul3A_253 : vector<16xf32>
        %add3A_255 = arith.constant 0 : i32
        %add3A_256 = arith.addi %add3A_255, %add3A_247 : i32
        %swap3A_257 = arith.index_cast %add3A_256 : i32 to index
        %swap3A_258 = arith.constant 0 : index
        %swap3A_259 = tpu.vector_load %arg12[%swap3A_257, %swap3A_258] {strides = array<i32>} : memref<200x64xf32, #tpu.memory_space<vmem>>, vector<1x16xf32>,
        %swap3A_260 = vector.shape_cast %swap3A_259 : vector<1x16xf32> to vector<16xf32>
        %swap3A_261 = vector.shape_cast %mul3A_254 : vector<16xf32> to vector<1x16xf32>
        tpu.vector_store %arg12[%swap3A_257, %swap3A_258], %swap3A_261 {strides = array<i32>} : memref<200x64xf32, #tpu.memory_space<vmem>>, vector<1x16xf32>,
        %get3A_262 = arith.index_cast %add3A_247 : i32 to index
        %get3A_263 = arith.constant 16 : index
        %get3A_264 = tpu.vector_load %arg9[%get3A_262, %get3A_263] {strides = array<i32>} : memref<100x128xf32, #tpu.memory_space<vmem>>, vector<1x16xf32>,
        %get3A_265 = vector.shape_cast %get3A_264 : vector<1x16xf32> to vector<16xf32>
        %mul3A_266 = arith.constant 8.000000e+00 : f32
        %mul3A_267 = vector.broadcast %mul3A_266 : f32 to vector<16xf32>
        %mul3A_268 = arith.mulf %get3A_265, %mul3A_267 : vector<16xf32>
        %add3A_269 = arith.constant 0 : i32
        %add3A_270 = arith.addi %add3A_269, %add3A_247 : i32
        %swap3A_271 = arith.index_cast %add3A_270 : i32 to index
        %swap3A_272 = arith.constant 16 : index
        %swap3A_273 = tpu.vector_load %arg12[%swap3A_271, %swap3A_272] {strides = array<i32>} : memref<200x64xf32, #tpu.memory_space<vmem>>, vector<1x16xf32>,
        %swap3A_274 = vector.shape_cast %swap3A_273 : vector<1x16xf32> to vector<16xf32>
        %swap3A_275 = vector.shape_cast %mul3A_268 : vector<16xf32> to vector<1x16xf32>
        tpu.vector_store %arg12[%swap3A_271, %swap3A_272], %swap3A_275 {strides = array<i32>} : memref<200x64xf32, #tpu.memory_space<vmem>>, vector<1x16xf32>,
        %get3A_276 = arith.index_cast %add3A_247 : i32 to index
        %get3A_277 = arith.constant 32 : index
        %get3A_278 = tpu.vector_load %arg9[%get3A_276, %get3A_277] {strides = array<i32>} : memref<100x128xf32, #tpu.memory_space<vmem>>, vector<1x16xf32>,
        %get3A_279 = vector.shape_cast %get3A_278 : vector<1x16xf32> to vector<16xf32>
        %mul3A_280 = arith.constant 8.000000e+00 : f32
        %mul3A_281 = vector.broadcast %mul3A_280 : f32 to vector<16xf32>
        %mul3A_282 = arith.mulf %get3A_279, %mul3A_281 : vector<16xf32>
        %add3A_283 = arith.constant 0 : i32
        %add3A_284 = arith.addi %add3A_283, %add3A_247 : i32
        %swap3A_285 = arith.index_cast %add3A_284 : i32 to index
        %swap3A_286 = arith.constant 32 : index
        %swap3A_287 = tpu.vector_load %arg12[%swap3A_285, %swap3A_286] {strides = array<i32>} : memref<200x64xf32, #tpu.memory_space<vmem>>, vector<1x16xf32>,
        %swap3A_288 = vector.shape_cast %swap3A_287 : vector<1x16xf32> to vector<16xf32>
        %swap3A_289 = vector.shape_cast %mul3A_282 : vector<16xf32> to vector<1x16xf32>
        tpu.vector_store %arg12[%swap3A_285, %swap3A_286], %swap3A_289 {strides = array<i32>} : memref<200x64xf32, #tpu.memory_space<vmem>>, vector<1x16xf32>,
        %get3A_290 = arith.index_cast %add3A_247 : i32 to index
        %get3A_291 = arith.constant 48 : index
        %get3A_292 = tpu.vector_load %arg9[%get3A_290, %get3A_291] {strides = array<i32>} : memref<100x128xf32, #tpu.memory_space<vmem>>, vector<1x16xf32>,
        %get3A_293 = vector.shape_cast %get3A_292 : vector<1x16xf32> to vector<16xf32>
        %mul3A_294 = arith.constant 8.000000e+00 : f32
        %mul3A_295 = vector.broadcast %mul3A_294 : f32 to vector<16xf32>
        %mul3A_296 = arith.mulf %get3A_293, %mul3A_295 : vector<16xf32>
        %add3A_297 = arith.constant 0 : i32
        %add3A_298 = arith.addi %add3A_297, %add3A_247 : i32
        %swap3A_299 = arith.index_cast %add3A_298 : i32 to index
        %swap3A_300 = arith.constant 48 : index
        %swap3A_301 = tpu.vector_load %arg12[%swap3A_299, %swap3A_300] {strides = array<i32>} : memref<200x64xf32, #tpu.memory_space<vmem>>, vector<1x16xf32>,
        %swap3A_302 = vector.shape_cast %swap3A_301 : vector<1x16xf32> to vector<16xf32>
        %swap3A_303 = vector.shape_cast %mul3A_296 : vector<16xf32> to vector<1x16xf32>
        tpu.vector_store %arg12[%swap3A_299, %swap3A_300], %swap3A_303 {strides = array<i32>} : memref<200x64xf32, #tpu.memory_space<vmem>>, vector<1x16xf32>,
        %mul3A_304 = arith.constant 4 : i32
        %mul3A_305 = arith.muli %scan3A_185, %mul3A_304 : i32
        %add3A_306 = arith.constant 2 : i32
        %add3A_307 = arith.addi %mul3A_305, %add3A_306 : i32
        %get3A_308 = arith.index_cast %add3A_307 : i32 to index
        %get3A_309 = arith.constant 0 : index
        %get3A_310 = tpu.vector_load %arg9[%get3A_308, %get3A_309] {strides = array<i32>} : memref<100x128xf32, #tpu.memory_space<vmem>>, vector<1x16xf32>,
        %get3A_311 = vector.shape_cast %get3A_310 : vector<1x16xf32> to vector<16xf32>
        %mul3A_312 = arith.constant 8.000000e+00 : f32
        %mul3A_313 = vector.broadcast %mul3A_312 : f32 to vector<16xf32>
        %mul3A_314 = arith.mulf %get3A_311, %mul3A_313 : vector<16xf32>
        %add3A_315 = arith.constant 0 : i32
        %add3A_316 = arith.addi %add3A_315, %add3A_307 : i32
        %swap3A_317 = arith.index_cast %add3A_316 : i32 to index
        %swap3A_318 = arith.constant 0 : index
        %swap3A_319 = tpu.vector_load %arg12[%swap3A_317, %swap3A_318] {strides = array<i32>} : memref<200x64xf32, #tpu.memory_space<vmem>>, vector<1x16xf32>,
        %swap3A_320 = vector.shape_cast %swap3A_319 : vector<1x16xf32> to vector<16xf32>
        %swap3A_321 = vector.shape_cast %mul3A_314 : vector<16xf32> to vector<1x16xf32>
        tpu.vector_store %arg12[%swap3A_317, %swap3A_318], %swap3A_321 {strides = array<i32>} : memref<200x64xf32, #tpu.memory_space<vmem>>, vector<1x16xf32>,
        %get3A_322 = arith.index_cast %add3A_307 : i32 to index
        %get3A_323 = arith.constant 16 : index
        %get3A_324 = tpu.vector_load %arg9[%get3A_322, %get3A_323] {strides = array<i32>} : memref<100x128xf32, #tpu.memory_space<vmem>>, vector<1x16xf32>,
        %get3A_325 = vector.shape_cast %get3A_324 : vector<1x16xf32> to vector<16xf32>
        %mul3A_326 = arith.constant 8.000000e+00 : f32
        %mul3A_327 = vector.broadcast %mul3A_326 : f32 to vector<16xf32>
        %mul3A_328 = arith.mulf %get3A_325, %mul3A_327 : vector<16xf32>
        %add3A_329 = arith.constant 0 : i32
        %add3A_330 = arith.addi %add3A_329, %add3A_307 : i32
        %swap3A_331 = arith.index_cast %add3A_330 : i32 to index
        %swap3A_332 = arith.constant 16 : index
        %swap3A_333 = tpu.vector_load %arg12[%swap3A_331, %swap3A_332] {strides = array<i32>} : memref<200x64xf32, #tpu.memory_space<vmem>>, vector<1x16xf32>,
        %swap3A_334 = vector.shape_cast %swap3A_333 : vector<1x16xf32> to vector<16xf32>
        %swap3A_335 = vector.shape_cast %mul3A_328 : vector<16xf32> to vector<1x16xf32>
        tpu.vector_store %arg12[%swap3A_331, %swap3A_332], %swap3A_335 {strides = array<i32>} : memref<200x64xf32, #tpu.memory_space<vmem>>, vector<1x16xf32>,
        %get3A_336 = arith.index_cast %add3A_307 : i32 to index
        %get3A_337 = arith.constant 32 : index
        %get3A_338 = tpu.vector_load %arg9[%get3A_336, %get3A_337] {strides = array<i32>} : memref<100x128xf32, #tpu.memory_space<vmem>>, vector<1x16xf32>,
        %get3A_339 = vector.shape_cast %get3A_338 : vector<1x16xf32> to vector<16xf32>
        %mul3A_340 = arith.constant 8.000000e+00 : f32
        %mul3A_341 = vector.broadcast %mul3A_340 : f32 to vector<16xf32>
        %mul3A_342 = arith.mulf %get3A_339, %mul3A_341 : vector<16xf32>
        %add3A_343 = arith.constant 0 : i32
        %add3A_344 = arith.addi %add3A_343, %add3A_307 : i32
        %swap3A_345 = arith.index_cast %add3A_344 : i32 to index
        %swap3A_346 = arith.constant 32 : index
        %swap3A_347 = tpu.vector_load %arg12[%swap3A_345, %swap3A_346] {strides = array<i32>} : memref<200x64xf32, #tpu.memory_space<vmem>>, vector<1x16xf32>,
        %swap3A_348 = vector.shape_cast %swap3A_347 : vector<1x16xf32> to vector<16xf32>
        %swap3A_349 = vector.shape_cast %mul3A_342 : vector<16xf32> to vector<1x16xf32>
        tpu.vector_store %arg12[%swap3A_345, %swap3A_346], %swap3A_349 {strides = array<i32>} : memref<200x64xf32, #tpu.memory_space<vmem>>, vector<1x16xf32>,
        %get3A_350 = arith.index_cast %add3A_307 : i32 to index
        %get3A_351 = arith.constant 48 : index
        %get3A_352 = tpu.vector_load %arg9[%get3A_350, %get3A_351] {strides = array<i32>} : memref<100x128xf32, #tpu.memory_space<vmem>>, vector<1x16xf32>,
        %get3A_353 = vector.shape_cast %get3A_352 : vector<1x16xf32> to vector<16xf32>
        %mul3A_354 = arith.constant 8.000000e+00 : f32
        %mul3A_355 = vector.broadcast %mul3A_354 : f32 to vector<16xf32>
        %mul3A_356 = arith.mulf %get3A_353, %mul3A_355 : vector<16xf32>
        %add3A_357 = arith.constant 0 : i32
        %add3A_358 = arith.addi %add3A_357, %add3A_307 : i32
        %swap3A_359 = arith.index_cast %add3A_358 : i32 to index
        %swap3A_360 = arith.constant 48 : index
        %swap3A_361 = tpu.vector_load %arg12[%swap3A_359, %swap3A_360] {strides = array<i32>} : memref<200x64xf32, #tpu.memory_space<vmem>>, vector<1x16xf32>,
        %swap3A_362 = vector.shape_cast %swap3A_361 : vector<1x16xf32> to vector<16xf32>
        %swap3A_363 = vector.shape_cast %mul3A_356 : vector<16xf32> to vector<1x16xf32>
        tpu.vector_store %arg12[%swap3A_359, %swap3A_360], %swap3A_363 {strides = array<i32>} : memref<200x64xf32, #tpu.memory_space<vmem>>, vector<1x16xf32>,
        %mul3A_364 = arith.constant 4 : i32
        %mul3A_365 = arith.muli %scan3A_185, %mul3A_364 : i32
        %add3A_366 = arith.constant 3 : i32
        %add3A_367 = arith.addi %mul3A_365, %add3A_366 : i32
        %get3A_368 = arith.index_cast %add3A_367 : i32 to index
        %get3A_369 = arith.constant 0 : index
        %get3A_370 = tpu.vector_load %arg9[%get3A_368, %get3A_369] {strides = array<i32>} : memref<100x128xf32, #tpu.memory_space<vmem>>, vector<1x16xf32>,
        %get3A_371 = vector.shape_cast %get3A_370 : vector<1x16xf32> to vector<16xf32>
        %mul3A_372 = arith.constant 8.000000e+00 : f32
        %mul3A_373 = vector.broadcast %mul3A_372 : f32 to vector<16xf32>
        %mul3A_374 = arith.mulf %get3A_371, %mul3A_373 : vector<16xf32>
        %add3A_375 = arith.constant 0 : i32
        %add3A_376 = arith.addi %add3A_375, %add3A_367 : i32
        %swap3A_377 = arith.index_cast %add3A_376 : i32 to index
        %swap3A_378 = arith.constant 0 : index
        %swap3A_379 = tpu.vector_load %arg12[%swap3A_377, %swap3A_378] {strides = array<i32>} : memref<200x64xf32, #tpu.memory_space<vmem>>, vector<1x16xf32>,
        %swap3A_380 = vector.shape_cast %swap3A_379 : vector<1x16xf32> to vector<16xf32>
        %swap3A_381 = vector.shape_cast %mul3A_374 : vector<16xf32> to vector<1x16xf32>
        tpu.vector_store %arg12[%swap3A_377, %swap3A_378], %swap3A_381 {strides = array<i32>} : memref<200x64xf32, #tpu.memory_space<vmem>>, vector<1x16xf32>,
        %get3A_382 = arith.index_cast %add3A_367 : i32 to index
        %get3A_383 = arith.constant 16 : index
        %get3A_384 = tpu.vector_load %arg9[%get3A_382, %get3A_383] {strides = array<i32>} : memref<100x128xf32, #tpu.memory_space<vmem>>, vector<1x16xf32>,
        %get3A_385 = vector.shape_cast %get3A_384 : vector<1x16xf32> to vector<16xf32>
        %mul3A_386 = arith.constant 8.000000e+00 : f32
        %mul3A_387 = vector.broadcast %mul3A_386 : f32 to vector<16xf32>
        %mul3A_388 = arith.mulf %get3A_385, %mul3A_387 : vector<16xf32>
        %add3A_389 = arith.constant 0 : i32
        %add3A_390 = arith.addi %add3A_389, %add3A_367 : i32
        %swap3A_391 = arith.index_cast %add3A_390 : i32 to index
        %swap3A_392 = arith.constant 16 : index
        %swap3A_393 = tpu.vector_load %arg12[%swap3A_391, %swap3A_392] {strides = array<i32>} : memref<200x64xf32, #tpu.memory_space<vmem>>, vector<1x16xf32>,
        %swap3A_394 = vector.shape_cast %swap3A_393 : vector<1x16xf32> to vector<16xf32>
        %swap3A_395 = vector.shape_cast %mul3A_388 : vector<16xf32> to vector<1x16xf32>
        tpu.vector_store %arg12[%swap3A_391, %swap3A_392], %swap3A_395 {strides = array<i32>} : memref<200x64xf32, #tpu.memory_space<vmem>>, vector<1x16xf32>,
        %get3A_396 = arith.index_cast %add3A_367 : i32 to index
        %get3A_397 = arith.constant 32 : index
        %get3A_398 = tpu.vector_load %arg9[%get3A_396, %get3A_397] {strides = array<i32>} : memref<100x128xf32, #tpu.memory_space<vmem>>, vector<1x16xf32>,
        %get3A_399 = vector.shape_cast %get3A_398 : vector<1x16xf32> to vector<16xf32>
        %mul3A_400 = arith.constant 8.000000e+00 : f32
        %mul3A_401 = vector.broadcast %mul3A_400 : f32 to vector<16xf32>
        %mul3A_402 = arith.mulf %get3A_399, %mul3A_401 : vector<16xf32>
        %add3A_403 = arith.constant 0 : i32
        %add3A_404 = arith.addi %add3A_403, %add3A_367 : i32
        %swap3A_405 = arith.index_cast %add3A_404 : i32 to index
        %swap3A_406 = arith.constant 32 : index
        %swap3A_407 = tpu.vector_load %arg12[%swap3A_405, %swap3A_406] {strides = array<i32>} : memref<200x64xf32, #tpu.memory_space<vmem>>, vector<1x16xf32>,
        %swap3A_408 = vector.shape_cast %swap3A_407 : vector<1x16xf32> to vector<16xf32>
        %swap3A_409 = vector.shape_cast %mul3A_402 : vector<16xf32> to vector<1x16xf32>
        tpu.vector_store %arg12[%swap3A_405, %swap3A_406], %swap3A_409 {strides = array<i32>} : memref<200x64xf32, #tpu.memory_space<vmem>>, vector<1x16xf32>,
        %get3A_410 = arith.index_cast %add3A_367 : i32 to index
        %get3A_411 = arith.constant 48 : index
        %get3A_412 = tpu.vector_load %arg9[%get3A_410, %get3A_411] {strides = array<i32>} : memref<100x128xf32, #tpu.memory_space<vmem>>, vector<1x16xf32>,
        %get3A_413 = vector.shape_cast %get3A_412 : vector<1x16xf32> to vector<16xf32>
        %mul3A_414 = arith.constant 8.000000e+00 : f32
        %mul3A_415 = vector.broadcast %mul3A_414 : f32 to vector<16xf32>
        %mul3A_416 = arith.mulf %get3A_413, %mul3A_415 : vector<16xf32>
        %add3A_417 = arith.constant 0 : i32
        %add3A_418 = arith.addi %add3A_417, %add3A_367 : i32
        %swap3A_419 = arith.index_cast %add3A_418 : i32 to index
        %swap3A_420 = arith.constant 48 : index
        %swap3A_421 = tpu.vector_load %arg12[%swap3A_419, %swap3A_420] {strides = array<i32>} : memref<200x64xf32, #tpu.memory_space<vmem>>, vector<1x16xf32>,
        %swap3A_422 = vector.shape_cast %swap3A_421 : vector<1x16xf32> to vector<16xf32>
        %swap3A_423 = vector.shape_cast %mul3A_416 : vector<16xf32> to vector<1x16xf32>
        tpu.vector_store %arg12[%swap3A_419, %swap3A_420], %swap3A_423 {strides = array<i32>} : memref<200x64xf32, #tpu.memory_space<vmem>>, vector<1x16xf32>,
      }
      %scan3A_152 = arith.constant 25 : i32
      %lt3A_153 = arith.constant 63 : i32
      %lt3A_154 = arith.cmpi slt, %scan3A_58, %lt3A_153 : i32
      %convert_element_type3A_155 = arith.extui %lt3A_154 : i1 to i32
      %cond3A_156 = arith.constant 0 : i32
      %cond3A_157 = arith.cmpi ne, %convert_element_type3A_155, %cond3A_156 : i32
      scf.if %cond3A_157 {
        %add3A_185 = arith.constant 1 : i32
        %add3A_186 = arith.addi %scan3A_58, %add3A_185 : i32
        %mul3A_187 = arith.constant 4 : i32
        %mul3A_188 = arith.muli %mul3A_187, %add3A_186 : i32
        %add3A_189 = arith.constant 2 : i32
        %add3A_190 = arith.addi %mul3A_188, %add3A_189 : i32
        %jit3A_191 = arith.constant 64 : i32
        %div3A = arith.divsi %add3A_190, %jit3A_191 : i32
        %sign3A = arith.constant 0 : i32
        %sign3A_192 = arith.cmpi sgt, %add3A_190, %sign3A : i32
        %sign3A_193 = arith.extui %sign3A_192 : i1 to i32
        %sign3A_194 = arith.constant 0 : i32
        %sign3A_195 = arith.cmpi slt, %add3A_190, %sign3A_194 : i32
        %sign3A_196 = arith.extui %sign3A_195 : i1 to i32
        %sign3A_197 = arith.subi %sign3A_193, %sign3A_196 : i32
        %sign3A_198 = arith.constant 0 : i32
        %sign3A_199 = arith.cmpi sgt, %jit3A_191, %sign3A_198 : i32
        %sign3A_200 = arith.extui %sign3A_199 : i1 to i32
        %sign3A_201 = arith.constant 0 : i32
        %sign3A_202 = arith.cmpi slt, %jit3A_191, %sign3A_201 : i32
        %sign3A_203 = arith.extui %sign3A_202 : i1 to i32
        %sign3A_204 = arith.subi %sign3A_200, %sign3A_203 : i32
        %ne3A_205 = arith.cmpi ne, %sign3A_197, %sign3A_204 : i32
        %rem3A_206 = arith.remsi %add3A_190, %jit3A_191 : i32
        %ne3A_207 = arith.constant 0 : i32
        %ne3A_208 = arith.cmpi ne, %rem3A_206, %ne3A_207 : i32
        %and3A_209 = arith.andi %ne3A_205, %ne3A_208 : i1
        %sub3A = arith.constant 1 : i32
        %sub3A_210 = arith.subi %div3A, %sub3A : i32
        %select_n3A_211 = arith.select %and3A_209, %sub3A_210, %div3A : i32
        %jit3A_212 = arith.constant 2 : i32
        %eq3A_213 = arith.constant 0 : i32
        %eq3A_214 = arith.cmpi eq, %jit3A_212, %eq3A_213 : i32
        %jit3A_215 = arith.constant 1 : i32
        %select_n3A_216 = arith.select %eq3A_214, %jit3A_215, %jit3A_212 : i32
        %rem3A_217 = arith.remsi %select_n3A_211, %select_n3A_216 : i32
        %ne3A_218 = arith.constant 0 : i32
        %ne3A_219 = arith.cmpi ne, %rem3A_217, %ne3A_218 : i32
        %lt3A_220 = arith.constant 0 : i32
        %lt3A_221 = arith.cmpi slt, %rem3A_217, %lt3A_220 : i32
        %lt3A_222 = arith.constant 0 : i32
        %lt3A_223 = arith.cmpi slt, %select_n3A_216, %lt3A_222 : i32
        %ne3A_224 = arith.xori %lt3A_221, %lt3A_223 : i1
        %and3A_225 = arith.andi %ne3A_224, %ne3A_219 : i1
        %add3A_226 = arith.addi %rem3A_217, %select_n3A_216 : i32
        %select_n3A_227 = arith.select %and3A_225, %add3A_226, %rem3A_217 : i32
        %eq3A_228 = arith.constant 0 : i32
        %eq3A_229 = arith.cmpi eq, %select_n3A_227, %eq3A_228 : i32
        %convert_element_type3A_230 = arith.extui %eq3A_229 : i1 to i32
        %cond3A_231 = arith.constant 0 : i32
        %cond3A_232 = arith.cmpi ne, %convert_element_type3A_230, %cond3A_231 : i32
        scf.if %cond3A_232 {
          %jit3A_278 = arith.constant 64 : i32
          %eq3A_279 = arith.constant 0 : i32
          %eq3A_280 = arith.cmpi eq, %jit3A_278, %eq3A_279 : i32
          %jit3A_281 = arith.constant 1 : i32
          %select_n3A_282 = arith.select %eq3A_280, %jit3A_281, %jit3A_278 : i32
          %rem3A_283 = arith.remsi %add3A_190, %select_n3A_282 : i32
          %ne3A_284 = arith.constant 0 : i32
          %ne3A_285 = arith.cmpi ne, %rem3A_283, %ne3A_284 : i32
          %lt3A_286 = arith.constant 0 : i32
          %lt3A_287 = arith.cmpi slt, %rem3A_283, %lt3A_286 : i32
          %lt3A_288 = arith.constant 0 : i32
          %lt3A_289 = arith.cmpi slt, %select_n3A_282, %lt3A_288 : i32
          %ne3A_290 = arith.xori %lt3A_287, %lt3A_289 : i1
          %and3A_291 = arith.andi %ne3A_290, %ne3A_285 : i1
          %add3A_292 = arith.addi %rem3A_283, %select_n3A_282 : i32
          %select_n3A_293 = arith.select %and3A_291, %add3A_292, %rem3A_283 : i32
          %dma_start3A_294 = arith.constant 0 : i32
          %dma_start3A_295 = tpu.memref_slice %arg5[%select_n3A_293, %dma_start3A_294] : memref<64x100xi32, #tpu.memory_space<vmem>> -> memref<1x100xi32, #tpu.memory_space<vmem>>
          %dma_start3A_296 = tpu.memref_squeeze %dma_start3A_295 : memref<1x100xi32, #tpu.memory_space<vmem>> -> memref<100xi32, #tpu.memory_space<vmem>>
          %dma_start3A_297 = arith.constant 0 : i32
          %dma_start3A_298 = arith.constant 0 : i32
          %dma_start3A_299 = tpu.memref_slice %arg3[%dma_start3A_297, %dma_start3A_298] : memref<1000000x128xf32, #tpu.memory_space<hbm>> -> memref<1000000x128xf32, #tpu.memory_space<hbm>>
          tpu.enqueue_indirect_dma source(%dma_start3A_299 : memref<1000000x128xf32, #tpu.memory_space<hbm>>) target(%arg9 : memref<100x128xf32, #tpu.memory_space<vmem>>) offsets(%dma_start3A_296 : memref<100xi32, #tpu.memory_space<vmem>>) semaphore(%arg15 : memref<!tpu.dma_semaphore, #tpu.memory_space<semaphore_mem>>)
        } else {
        }
        %jit3A_233 = arith.constant 64 : i32
        %div3A_234 = arith.divsi %add3A_190, %jit3A_233 : i32
        %sign3A_235 = arith.constant 0 : i32
        %sign3A_236 = arith.cmpi sgt, %add3A_190, %sign3A_235 : i32
        %sign3A_237 = arith.extui %sign3A_236 : i1 to i32
        %sign3A_238 = arith.constant 0 : i32
        %sign3A_239 = arith.cmpi slt, %add3A_190, %sign3A_238 : i32
        %sign3A_240 = arith.extui %sign3A_239 : i1 to i32
        %sign3A_241 = arith.subi %sign3A_237, %sign3A_240 : i32
        %sign3A_242 = arith.constant 0 : i32
        %sign3A_243 = arith.cmpi sgt, %jit3A_233, %sign3A_242 : i32
        %sign3A_244 = arith.extui %sign3A_243 : i1 to i32
        %sign3A_245 = arith.constant 0 : i32
        %sign3A_246 = arith.cmpi slt, %jit3A_233, %sign3A_245 : i32
        %sign3A_247 = arith.extui %sign3A_246 : i1 to i32
        %sign3A_248 = arith.subi %sign3A_244, %sign3A_247 : i32
        %ne3A_249 = arith.cmpi ne, %sign3A_241, %sign3A_248 : i32
        %rem3A_250 = arith.remsi %add3A_190, %jit3A_233 : i32
        %ne3A_251 = arith.constant 0 : i32
        %ne3A_252 = arith.cmpi ne, %rem3A_250, %ne3A_251 : i32
        %and3A_253 = arith.andi %ne3A_249, %ne3A_252 : i1
        %sub3A_254 = arith.constant 1 : i32
        %sub3A_255 = arith.subi %div3A_234, %sub3A_254 : i32
        %select_n3A_256 = arith.select %and3A_253, %sub3A_255, %div3A_234 : i32
        %jit3A_257 = arith.constant 2 : i32
        %eq3A_258 = arith.constant 0 : i32
        %eq3A_259 = arith.cmpi eq, %jit3A_257, %eq3A_258 : i32
        %jit3A_260 = arith.constant 1 : i32
        %select_n3A_261 = arith.select %eq3A_259, %jit3A_260, %jit3A_257 : i32
        %rem3A_262 = arith.remsi %select_n3A_256, %select_n3A_261 : i32
        %ne3A_263 = arith.constant 0 : i32
        %ne3A_264 = arith.cmpi ne, %rem3A_262, %ne3A_263 : i32
        %lt3A_265 = arith.constant 0 : i32
        %lt3A_266 = arith.cmpi slt, %rem3A_262, %lt3A_265 : i32
        %lt3A_267 = arith.constant 0 : i32
        %lt3A_268 = arith.cmpi slt, %select_n3A_261, %lt3A_267 : i32
        %ne3A_269 = arith.xori %lt3A_266, %lt3A_268 : i1
        %and3A_270 = arith.andi %ne3A_269, %ne3A_264 : i1
        %add3A_271 = arith.addi %rem3A_262, %select_n3A_261 : i32
        %select_n3A_272 = arith.select %and3A_270, %add3A_271, %rem3A_262 : i32
        %eq3A_273 = arith.constant 1 : i32
        %eq3A_274 = arith.cmpi eq, %select_n3A_272, %eq3A_273 : i32
        %convert_element_type3A_275 = arith.extui %eq3A_274 : i1 to i32
        %cond3A_276 = arith.constant 0 : i32
        %cond3A_277 = arith.cmpi ne, %convert_element_type3A_275, %cond3A_276 : i32
        scf.if %cond3A_277 {
          %jit3A_278 = arith.constant 64 : i32
          %eq3A_279 = arith.constant 0 : i32
          %eq3A_280 = arith.cmpi eq, %jit3A_278, %eq3A_279 : i32
          %jit3A_281 = arith.constant 1 : i32
          %select_n3A_282 = arith.select %eq3A_280, %jit3A_281, %jit3A_278 : i32
          %rem3A_283 = arith.remsi %add3A_190, %select_n3A_282 : i32
          %ne3A_284 = arith.constant 0 : i32
          %ne3A_285 = arith.cmpi ne, %rem3A_283, %ne3A_284 : i32
          %lt3A_286 = arith.constant 0 : i32
          %lt3A_287 = arith.cmpi slt, %rem3A_283, %lt3A_286 : i32
          %lt3A_288 = arith.constant 0 : i32
          %lt3A_289 = arith.cmpi slt, %select_n3A_282, %lt3A_288 : i32
          %ne3A_290 = arith.xori %lt3A_287, %lt3A_289 : i1
          %and3A_291 = arith.andi %ne3A_290, %ne3A_285 : i1
          %add3A_292 = arith.addi %rem3A_283, %select_n3A_282 : i32
          %select_n3A_293 = arith.select %and3A_291, %add3A_292, %rem3A_283 : i32
          %dma_start3A_294 = arith.constant 0 : i32
          %dma_start3A_295 = tpu.memref_slice %arg6[%select_n3A_293, %dma_start3A_294] : memref<64x100xi32, #tpu.memory_space<vmem>> -> memref<1x100xi32, #tpu.memory_space<vmem>>
          %dma_start3A_296 = tpu.memref_squeeze %dma_start3A_295 : memref<1x100xi32, #tpu.memory_space<vmem>> -> memref<100xi32, #tpu.memory_space<vmem>>
          %dma_start3A_297 = arith.constant 0 : i32
          %dma_start3A_298 = arith.constant 0 : i32
          %dma_start3A_299 = tpu.memref_slice %arg3[%dma_start3A_297, %dma_start3A_298] : memref<1000000x128xf32, #tpu.memory_space<hbm>> -> memref<1000000x128xf32, #tpu.memory_space<hbm>>
          tpu.enqueue_indirect_dma source(%dma_start3A_299 : memref<1000000x128xf32, #tpu.memory_space<hbm>>) target(%arg9 : memref<100x128xf32, #tpu.memory_space<vmem>>) offsets(%dma_start3A_296 : memref<100xi32, #tpu.memory_space<vmem>>) semaphore(%arg15 : memref<!tpu.dma_semaphore, #tpu.memory_space<semaphore_mem>>)
        } else {
        }
      } else {
      }
      %dma_wait3A_158 = arith.constant 0 : i32
      %dma_wait3A_159 = arith.constant 0 : i32
      %dma_wait3A_160 = tpu.memref_slice %arg5[%dma_wait3A_158, %dma_wait3A_159] : memref<64x100xi32, #tpu.memory_space<vmem>> -> memref<1x100xi32, #tpu.memory_space<vmem>>
      %dma_wait3A_161 = tpu.memref_squeeze %dma_wait3A_160 : memref<1x100xi32, #tpu.memory_space<vmem>> -> memref<100xi32, #tpu.memory_space<vmem>>
      %dma_wait3A_162 = arith.constant 0 : i32
      %dma_wait3A_163 = arith.constant 0 : i32
      %dma_wait3A_164 = tpu.memref_slice %arg3[%dma_wait3A_162, %dma_wait3A_163] : memref<1000000x128xf32, #tpu.memory_space<hbm>> -> memref<1000000x128xf32, #tpu.memory_space<hbm>>
      tpu.wait_indirect_dma semaphore(%arg16 : memref<!tpu.dma_semaphore, #tpu.memory_space<semaphore_mem>>) src(%dma_wait3A_164 : memref<1000000x128xf32, #tpu.memory_space<hbm>>) dst(%arg10 : memref<100x128xf32, #tpu.memory_space<vmem>>)
      %scan3A_165 = arith.constant 0 : i32
      %scan3A_166 = arith.constant 0 : i32
      %scan3A_167 = arith.constant 25 : i32
      %scan3A_168 = arith.addi %scan3A_166, %scan3A_167 : i32
      %scan3A_169 = arith.constant 1 : i32
      scf.for %scan3A_185 = %scan3A_166 to %scan3A_168 step %scan3A_169  : i32 {
        %mul3A_186 = arith.constant 4 : i32
        %mul3A_187 = arith.muli %scan3A_185, %mul3A_186 : i32
        %add3A_188 = arith.constant 0 : i32
        %add3A_189 = arith.addi %mul3A_187, %add3A_188 : i32
        %get3A = arith.index_cast %add3A_189 : i32 to index
        %get3A_190 = arith.constant 0 : index
        %get3A_191 = tpu.vector_load %arg10[%get3A, %get3A_190] {strides = array<i32>} : memref<100x128xf32, #tpu.memory_space<vmem>>, vector<1x16xf32>,
        %get3A_192 = vector.shape_cast %get3A_191 : vector<1x16xf32> to vector<16xf32>
        %mul3A_193 = arith.constant 8.000000e+00 : f32
        %mul3A_194 = vector.broadcast %mul3A_193 : f32 to vector<16xf32>
        %mul3A_195 = arith.mulf %get3A_192, %mul3A_194 : vector<16xf32>
        %add3A_196 = arith.constant 100 : i32
        %add3A_197 = arith.addi %add3A_196, %add3A_189 : i32
        %swap3A = arith.index_cast %add3A_197 : i32 to index
        %swap3A_198 = arith.constant 0 : index
        %swap3A_199 = tpu.vector_load %arg12[%swap3A, %swap3A_198] {strides = array<i32>} : memref<200x64xf32, #tpu.memory_space<vmem>>, vector<1x16xf32>,
        %swap3A_200 = vector.shape_cast %swap3A_199 : vector<1x16xf32> to vector<16xf32>
        %swap3A_201 = vector.shape_cast %mul3A_195 : vector<16xf32> to vector<1x16xf32>
        tpu.vector_store %arg12[%swap3A, %swap3A_198], %swap3A_201 {strides = array<i32>} : memref<200x64xf32, #tpu.memory_space<vmem>>, vector<1x16xf32>,
        %get3A_202 = arith.index_cast %add3A_189 : i32 to index
        %get3A_203 = arith.constant 16 : index
        %get3A_204 = tpu.vector_load %arg10[%get3A_202, %get3A_203] {strides = array<i32>} : memref<100x128xf32, #tpu.memory_space<vmem>>, vector<1x16xf32>,
        %get3A_205 = vector.shape_cast %get3A_204 : vector<1x16xf32> to vector<16xf32>
        %mul3A_206 = arith.constant 8.000000e+00 : f32
        %mul3A_207 = vector.broadcast %mul3A_206 : f32 to vector<16xf32>
        %mul3A_208 = arith.mulf %get3A_205, %mul3A_207 : vector<16xf32>
        %add3A_209 = arith.constant 100 : i32
        %add3A_210 = arith.addi %add3A_209, %add3A_189 : i32
        %swap3A_211 = arith.index_cast %add3A_210 : i32 to index
        %swap3A_212 = arith.constant 16 : index
        %swap3A_213 = tpu.vector_load %arg12[%swap3A_211, %swap3A_212] {strides = array<i32>} : memref<200x64xf32, #tpu.memory_space<vmem>>, vector<1x16xf32>,
        %swap3A_214 = vector.shape_cast %swap3A_213 : vector<1x16xf32> to vector<16xf32>
        %swap3A_215 = vector.shape_cast %mul3A_208 : vector<16xf32> to vector<1x16xf32>
        tpu.vector_store %arg12[%swap3A_211, %swap3A_212], %swap3A_215 {strides = array<i32>} : memref<200x64xf32, #tpu.memory_space<vmem>>, vector<1x16xf32>,
        %get3A_216 = arith.index_cast %add3A_189 : i32 to index
        %get3A_217 = arith.constant 32 : index
        %get3A_218 = tpu.vector_load %arg10[%get3A_216, %get3A_217] {strides = array<i32>} : memref<100x128xf32, #tpu.memory_space<vmem>>, vector<1x16xf32>,
        %get3A_219 = vector.shape_cast %get3A_218 : vector<1x16xf32> to vector<16xf32>
        %mul3A_220 = arith.constant 8.000000e+00 : f32
        %mul3A_221 = vector.broadcast %mul3A_220 : f32 to vector<16xf32>
        %mul3A_222 = arith.mulf %get3A_219, %mul3A_221 : vector<16xf32>
        %add3A_223 = arith.constant 100 : i32
        %add3A_224 = arith.addi %add3A_223, %add3A_189 : i32
        %swap3A_225 = arith.index_cast %add3A_224 : i32 to index
        %swap3A_226 = arith.constant 32 : index
        %swap3A_227 = tpu.vector_load %arg12[%swap3A_225, %swap3A_226] {strides = array<i32>} : memref<200x64xf32, #tpu.memory_space<vmem>>, vector<1x16xf32>,
        %swap3A_228 = vector.shape_cast %swap3A_227 : vector<1x16xf32> to vector<16xf32>
        %swap3A_229 = vector.shape_cast %mul3A_222 : vector<16xf32> to vector<1x16xf32>
        tpu.vector_store %arg12[%swap3A_225, %swap3A_226], %swap3A_229 {strides = array<i32>} : memref<200x64xf32, #tpu.memory_space<vmem>>, vector<1x16xf32>,
        %get3A_230 = arith.index_cast %add3A_189 : i32 to index
        %get3A_231 = arith.constant 48 : index
        %get3A_232 = tpu.vector_load %arg10[%get3A_230, %get3A_231] {strides = array<i32>} : memref<100x128xf32, #tpu.memory_space<vmem>>, vector<1x16xf32>,
        %get3A_233 = vector.shape_cast %get3A_232 : vector<1x16xf32> to vector<16xf32>
        %mul3A_234 = arith.constant 8.000000e+00 : f32
        %mul3A_235 = vector.broadcast %mul3A_234 : f32 to vector<16xf32>
        %mul3A_236 = arith.mulf %get3A_233, %mul3A_235 : vector<16xf32>
        %add3A_237 = arith.constant 100 : i32
        %add3A_238 = arith.addi %add3A_237, %add3A_189 : i32
        %swap3A_239 = arith.index_cast %add3A_238 : i32 to index
        %swap3A_240 = arith.constant 48 : index
        %swap3A_241 = tpu.vector_load %arg12[%swap3A_239, %swap3A_240] {strides = array<i32>} : memref<200x64xf32, #tpu.memory_space<vmem>>, vector<1x16xf32>,
        %swap3A_242 = vector.shape_cast %swap3A_241 : vector<1x16xf32> to vector<16xf32>
        %swap3A_243 = vector.shape_cast %mul3A_236 : vector<16xf32> to vector<1x16xf32>
        tpu.vector_store %arg12[%swap3A_239, %swap3A_240], %swap3A_243 {strides = array<i32>} : memref<200x64xf32, #tpu.memory_space<vmem>>, vector<1x16xf32>,
        %mul3A_244 = arith.constant 4 : i32
        %mul3A_245 = arith.muli %scan3A_185, %mul3A_244 : i32
        %add3A_246 = arith.constant 1 : i32
        %add3A_247 = arith.addi %mul3A_245, %add3A_246 : i32
        %get3A_248 = arith.index_cast %add3A_247 : i32 to index
        %get3A_249 = arith.constant 0 : index
        %get3A_250 = tpu.vector_load %arg10[%get3A_248, %get3A_249] {strides = array<i32>} : memref<100x128xf32, #tpu.memory_space<vmem>>, vector<1x16xf32>,
        %get3A_251 = vector.shape_cast %get3A_250 : vector<1x16xf32> to vector<16xf32>
        %mul3A_252 = arith.constant 8.000000e+00 : f32
        %mul3A_253 = vector.broadcast %mul3A_252 : f32 to vector<16xf32>
        %mul3A_254 = arith.mulf %get3A_251, %mul3A_253 : vector<16xf32>
        %add3A_255 = arith.constant 100 : i32
        %add3A_256 = arith.addi %add3A_255, %add3A_247 : i32
        %swap3A_257 = arith.index_cast %add3A_256 : i32 to index
        %swap3A_258 = arith.constant 0 : index
        %swap3A_259 = tpu.vector_load %arg12[%swap3A_257, %swap3A_258] {strides = array<i32>} : memref<200x64xf32, #tpu.memory_space<vmem>>, vector<1x16xf32>,
        %swap3A_260 = vector.shape_cast %swap3A_259 : vector<1x16xf32> to vector<16xf32>
        %swap3A_261 = vector.shape_cast %mul3A_254 : vector<16xf32> to vector<1x16xf32>
        tpu.vector_store %arg12[%swap3A_257, %swap3A_258], %swap3A_261 {strides = array<i32>} : memref<200x64xf32, #tpu.memory_space<vmem>>, vector<1x16xf32>,
        %get3A_262 = arith.index_cast %add3A_247 : i32 to index
        %get3A_263 = arith.constant 16 : index
        %get3A_264 = tpu.vector_load %arg10[%get3A_262, %get3A_263] {strides = array<i32>} : memref<100x128xf32, #tpu.memory_space<vmem>>, vector<1x16xf32>,
        %get3A_265 = vector.shape_cast %get3A_264 : vector<1x16xf32> to vector<16xf32>
        %mul3A_266 = arith.constant 8.000000e+00 : f32
        %mul3A_267 = vector.broadcast %mul3A_266 : f32 to vector<16xf32>
        %mul3A_268 = arith.mulf %get3A_265, %mul3A_267 : vector<16xf32>
        %add3A_269 = arith.constant 100 : i32
        %add3A_270 = arith.addi %add3A_269, %add3A_247 : i32
        %swap3A_271 = arith.index_cast %add3A_270 : i32 to index
        %swap3A_272 = arith.constant 16 : index
        %swap3A_273 = tpu.vector_load %arg12[%swap3A_271, %swap3A_272] {strides = array<i32>} : memref<200x64xf32, #tpu.memory_space<vmem>>, vector<1x16xf32>,
        %swap3A_274 = vector.shape_cast %swap3A_273 : vector<1x16xf32> to vector<16xf32>
        %swap3A_275 = vector.shape_cast %mul3A_268 : vector<16xf32> to vector<1x16xf32>
        tpu.vector_store %arg12[%swap3A_271, %swap3A_272], %swap3A_275 {strides = array<i32>} : memref<200x64xf32, #tpu.memory_space<vmem>>, vector<1x16xf32>,
        %get3A_276 = arith.index_cast %add3A_247 : i32 to index
        %get3A_277 = arith.constant 32 : index
        %get3A_278 = tpu.vector_load %arg10[%get3A_276, %get3A_277] {strides = array<i32>} : memref<100x128xf32, #tpu.memory_space<vmem>>, vector<1x16xf32>,
        %get3A_279 = vector.shape_cast %get3A_278 : vector<1x16xf32> to vector<16xf32>
        %mul3A_280 = arith.constant 8.000000e+00 : f32
        %mul3A_281 = vector.broadcast %mul3A_280 : f32 to vector<16xf32>
        %mul3A_282 = arith.mulf %get3A_279, %mul3A_281 : vector<16xf32>
        %add3A_283 = arith.constant 100 : i32
        %add3A_284 = arith.addi %add3A_283, %add3A_247 : i32
        %swap3A_285 = arith.index_cast %add3A_284 : i32 to index
        %swap3A_286 = arith.constant 32 : index
        %swap3A_287 = tpu.vector_load %arg12[%swap3A_285, %swap3A_286] {strides = array<i32>} : memref<200x64xf32, #tpu.memory_space<vmem>>, vector<1x16xf32>,
        %swap3A_288 = vector.shape_cast %swap3A_287 : vector<1x16xf32> to vector<16xf32>
        %swap3A_289 = vector.shape_cast %mul3A_282 : vector<16xf32> to vector<1x16xf32>
        tpu.vector_store %arg12[%swap3A_285, %swap3A_286], %swap3A_289 {strides = array<i32>} : memref<200x64xf32, #tpu.memory_space<vmem>>, vector<1x16xf32>,
        %get3A_290 = arith.index_cast %add3A_247 : i32 to index
        %get3A_291 = arith.constant 48 : index
        %get3A_292 = tpu.vector_load %arg10[%get3A_290, %get3A_291] {strides = array<i32>} : memref<100x128xf32, #tpu.memory_space<vmem>>, vector<1x16xf32>,
        %get3A_293 = vector.shape_cast %get3A_292 : vector<1x16xf32> to vector<16xf32>
        %mul3A_294 = arith.constant 8.000000e+00 : f32
        %mul3A_295 = vector.broadcast %mul3A_294 : f32 to vector<16xf32>
        %mul3A_296 = arith.mulf %get3A_293, %mul3A_295 : vector<16xf32>
        %add3A_297 = arith.constant 100 : i32
        %add3A_298 = arith.addi %add3A_297, %add3A_247 : i32
        %swap3A_299 = arith.index_cast %add3A_298 : i32 to index
        %swap3A_300 = arith.constant 48 : index
        %swap3A_301 = tpu.vector_load %arg12[%swap3A_299, %swap3A_300] {strides = array<i32>} : memref<200x64xf32, #tpu.memory_space<vmem>>, vector<1x16xf32>,
        %swap3A_302 = vector.shape_cast %swap3A_301 : vector<1x16xf32> to vector<16xf32>
        %swap3A_303 = vector.shape_cast %mul3A_296 : vector<16xf32> to vector<1x16xf32>
        tpu.vector_store %arg12[%swap3A_299, %swap3A_300], %swap3A_303 {strides = array<i32>} : memref<200x64xf32, #tpu.memory_space<vmem>>, vector<1x16xf32>,
        %mul3A_304 = arith.constant 4 : i32
        %mul3A_305 = arith.muli %scan3A_185, %mul3A_304 : i32
        %add3A_306 = arith.constant 2 : i32
        %add3A_307 = arith.addi %mul3A_305, %add3A_306 : i32
        %get3A_308 = arith.index_cast %add3A_307 : i32 to index
        %get3A_309 = arith.constant 0 : index
        %get3A_310 = tpu.vector_load %arg10[%get3A_308, %get3A_309] {strides = array<i32>} : memref<100x128xf32, #tpu.memory_space<vmem>>, vector<1x16xf32>,
        %get3A_311 = vector.shape_cast %get3A_310 : vector<1x16xf32> to vector<16xf32>
        %mul3A_312 = arith.constant 8.000000e+00 : f32
        %mul3A_313 = vector.broadcast %mul3A_312 : f32 to vector<16xf32>
        %mul3A_314 = arith.mulf %get3A_311, %mul3A_313 : vector<16xf32>
        %add3A_315 = arith.constant 100 : i32
        %add3A_316 = arith.addi %add3A_315, %add3A_307 : i32
        %swap3A_317 = arith.index_cast %add3A_316 : i32 to index
        %swap3A_318 = arith.constant 0 : index
        %swap3A_319 = tpu.vector_load %arg12[%swap3A_317, %swap3A_318] {strides = array<i32>} : memref<200x64xf32, #tpu.memory_space<vmem>>, vector<1x16xf32>,
        %swap3A_320 = vector.shape_cast %swap3A_319 : vector<1x16xf32> to vector<16xf32>
        %swap3A_321 = vector.shape_cast %mul3A_314 : vector<16xf32> to vector<1x16xf32>
        tpu.vector_store %arg12[%swap3A_317, %swap3A_318], %swap3A_321 {strides = array<i32>} : memref<200x64xf32, #tpu.memory_space<vmem>>, vector<1x16xf32>,
        %get3A_322 = arith.index_cast %add3A_307 : i32 to index
        %get3A_323 = arith.constant 16 : index
        %get3A_324 = tpu.vector_load %arg10[%get3A_322, %get3A_323] {strides = array<i32>} : memref<100x128xf32, #tpu.memory_space<vmem>>, vector<1x16xf32>,
        %get3A_325 = vector.shape_cast %get3A_324 : vector<1x16xf32> to vector<16xf32>
        %mul3A_326 = arith.constant 8.000000e+00 : f32
        %mul3A_327 = vector.broadcast %mul3A_326 : f32 to vector<16xf32>
        %mul3A_328 = arith.mulf %get3A_325, %mul3A_327 : vector<16xf32>
        %add3A_329 = arith.constant 100 : i32
        %add3A_330 = arith.addi %add3A_329, %add3A_307 : i32
        %swap3A_331 = arith.index_cast %add3A_330 : i32 to index
        %swap3A_332 = arith.constant 16 : index
        %swap3A_333 = tpu.vector_load %arg12[%swap3A_331, %swap3A_332] {strides = array<i32>} : memref<200x64xf32, #tpu.memory_space<vmem>>, vector<1x16xf32>,
        %swap3A_334 = vector.shape_cast %swap3A_333 : vector<1x16xf32> to vector<16xf32>
        %swap3A_335 = vector.shape_cast %mul3A_328 : vector<16xf32> to vector<1x16xf32>
        tpu.vector_store %arg12[%swap3A_331, %swap3A_332], %swap3A_335 {strides = array<i32>} : memref<200x64xf32, #tpu.memory_space<vmem>>, vector<1x16xf32>,
        %get3A_336 = arith.index_cast %add3A_307 : i32 to index
        %get3A_337 = arith.constant 32 : index
        %get3A_338 = tpu.vector_load %arg10[%get3A_336, %get3A_337] {strides = array<i32>} : memref<100x128xf32, #tpu.memory_space<vmem>>, vector<1x16xf32>,
        %get3A_339 = vector.shape_cast %get3A_338 : vector<1x16xf32> to vector<16xf32>
        %mul3A_340 = arith.constant 8.000000e+00 : f32
        %mul3A_341 = vector.broadcast %mul3A_340 : f32 to vector<16xf32>
        %mul3A_342 = arith.mulf %get3A_339, %mul3A_341 : vector<16xf32>
        %add3A_343 = arith.constant 100 : i32
        %add3A_344 = arith.addi %add3A_343, %add3A_307 : i32
        %swap3A_345 = arith.index_cast %add3A_344 : i32 to index
        %swap3A_346 = arith.constant 32 : index
        %swap3A_347 = tpu.vector_load %arg12[%swap3A_345, %swap3A_346] {strides = array<i32>} : memref<200x64xf32, #tpu.memory_space<vmem>>, vector<1x16xf32>,
        %swap3A_348 = vector.shape_cast %swap3A_347 : vector<1x16xf32> to vector<16xf32>
        %swap3A_349 = vector.shape_cast %mul3A_342 : vector<16xf32> to vector<1x16xf32>
        tpu.vector_store %arg12[%swap3A_345, %swap3A_346], %swap3A_349 {strides = array<i32>} : memref<200x64xf32, #tpu.memory_space<vmem>>, vector<1x16xf32>,
        %get3A_350 = arith.index_cast %add3A_307 : i32 to index
        %get3A_351 = arith.constant 48 : index
        %get3A_352 = tpu.vector_load %arg10[%get3A_350, %get3A_351] {strides = array<i32>} : memref<100x128xf32, #tpu.memory_space<vmem>>, vector<1x16xf32>,
        %get3A_353 = vector.shape_cast %get3A_352 : vector<1x16xf32> to vector<16xf32>
        %mul3A_354 = arith.constant 8.000000e+00 : f32
        %mul3A_355 = vector.broadcast %mul3A_354 : f32 to vector<16xf32>
        %mul3A_356 = arith.mulf %get3A_353, %mul3A_355 : vector<16xf32>
        %add3A_357 = arith.constant 100 : i32
        %add3A_358 = arith.addi %add3A_357, %add3A_307 : i32
        %swap3A_359 = arith.index_cast %add3A_358 : i32 to index
        %swap3A_360 = arith.constant 48 : index
        %swap3A_361 = tpu.vector_load %arg12[%swap3A_359, %swap3A_360] {strides = array<i32>} : memref<200x64xf32, #tpu.memory_space<vmem>>, vector<1x16xf32>,
        %swap3A_362 = vector.shape_cast %swap3A_361 : vector<1x16xf32> to vector<16xf32>
        %swap3A_363 = vector.shape_cast %mul3A_356 : vector<16xf32> to vector<1x16xf32>
        tpu.vector_store %arg12[%swap3A_359, %swap3A_360], %swap3A_363 {strides = array<i32>} : memref<200x64xf32, #tpu.memory_space<vmem>>, vector<1x16xf32>,
        %mul3A_364 = arith.constant 4 : i32
        %mul3A_365 = arith.muli %scan3A_185, %mul3A_364 : i32
        %add3A_366 = arith.constant 3 : i32
        %add3A_367 = arith.addi %mul3A_365, %add3A_366 : i32
        %get3A_368 = arith.index_cast %add3A_367 : i32 to index
        %get3A_369 = arith.constant 0 : index
        %get3A_370 = tpu.vector_load %arg10[%get3A_368, %get3A_369] {strides = array<i32>} : memref<100x128xf32, #tpu.memory_space<vmem>>, vector<1x16xf32>,
        %get3A_371 = vector.shape_cast %get3A_370 : vector<1x16xf32> to vector<16xf32>
        %mul3A_372 = arith.constant 8.000000e+00 : f32
        %mul3A_373 = vector.broadcast %mul3A_372 : f32 to vector<16xf32>
        %mul3A_374 = arith.mulf %get3A_371, %mul3A_373 : vector<16xf32>
        %add3A_375 = arith.constant 100 : i32
        %add3A_376 = arith.addi %add3A_375, %add3A_367 : i32
        %swap3A_377 = arith.index_cast %add3A_376 : i32 to index
        %swap3A_378 = arith.constant 0 : index
        %swap3A_379 = tpu.vector_load %arg12[%swap3A_377, %swap3A_378] {strides = array<i32>} : memref<200x64xf32, #tpu.memory_space<vmem>>, vector<1x16xf32>,
        %swap3A_380 = vector.shape_cast %swap3A_379 : vector<1x16xf32> to vector<16xf32>
        %swap3A_381 = vector.shape_cast %mul3A_374 : vector<16xf32> to vector<1x16xf32>
        tpu.vector_store %arg12[%swap3A_377, %swap3A_378], %swap3A_381 {strides = array<i32>} : memref<200x64xf32, #tpu.memory_space<vmem>>, vector<1x16xf32>,
        %get3A_382 = arith.index_cast %add3A_367 : i32 to index
        %get3A_383 = arith.constant 16 : index
        %get3A_384 = tpu.vector_load %arg10[%get3A_382, %get3A_383] {strides = array<i32>} : memref<100x128xf32, #tpu.memory_space<vmem>>, vector<1x16xf32>,
        %get3A_385 = vector.shape_cast %get3A_384 : vector<1x16xf32> to vector<16xf32>
        %mul3A_386 = arith.constant 8.000000e+00 : f32
        %mul3A_387 = vector.broadcast %mul3A_386 : f32 to vector<16xf32>
        %mul3A_388 = arith.mulf %get3A_385, %mul3A_387 : vector<16xf32>
        %add3A_389 = arith.constant 100 : i32
        %add3A_390 = arith.addi %add3A_389, %add3A_367 : i32
        %swap3A_391 = arith.index_cast %add3A_390 : i32 to index
        %swap3A_392 = arith.constant 16 : index
        %swap3A_393 = tpu.vector_load %arg12[%swap3A_391, %swap3A_392] {strides = array<i32>} : memref<200x64xf32, #tpu.memory_space<vmem>>, vector<1x16xf32>,
        %swap3A_394 = vector.shape_cast %swap3A_393 : vector<1x16xf32> to vector<16xf32>
        %swap3A_395 = vector.shape_cast %mul3A_388 : vector<16xf32> to vector<1x16xf32>
        tpu.vector_store %arg12[%swap3A_391, %swap3A_392], %swap3A_395 {strides = array<i32>} : memref<200x64xf32, #tpu.memory_space<vmem>>, vector<1x16xf32>,
        %get3A_396 = arith.index_cast %add3A_367 : i32 to index
        %get3A_397 = arith.constant 32 : index
        %get3A_398 = tpu.vector_load %arg10[%get3A_396, %get3A_397] {strides = array<i32>} : memref<100x128xf32, #tpu.memory_space<vmem>>, vector<1x16xf32>,
        %get3A_399 = vector.shape_cast %get3A_398 : vector<1x16xf32> to vector<16xf32>
        %mul3A_400 = arith.constant 8.000000e+00 : f32
        %mul3A_401 = vector.broadcast %mul3A_400 : f32 to vector<16xf32>
        %mul3A_402 = arith.mulf %get3A_399, %mul3A_401 : vector<16xf32>
        %add3A_403 = arith.constant 100 : i32
        %add3A_404 = arith.addi %add3A_403, %add3A_367 : i32
        %swap3A_405 = arith.index_cast %add3A_404 : i32 to index
        %swap3A_406 = arith.constant 32 : index
        %swap3A_407 = tpu.vector_load %arg12[%swap3A_405, %swap3A_406] {strides = array<i32>} : memref<200x64xf32, #tpu.memory_space<vmem>>, vector<1x16xf32>,
        %swap3A_408 = vector.shape_cast %swap3A_407 : vector<1x16xf32> to vector<16xf32>
        %swap3A_409 = vector.shape_cast %mul3A_402 : vector<16xf32> to vector<1x16xf32>
        tpu.vector_store %arg12[%swap3A_405, %swap3A_406], %swap3A_409 {strides = array<i32>} : memref<200x64xf32, #tpu.memory_space<vmem>>, vector<1x16xf32>,
        %get3A_410 = arith.index_cast %add3A_367 : i32 to index
        %get3A_411 = arith.constant 48 : index
        %get3A_412 = tpu.vector_load %arg10[%get3A_410, %get3A_411] {strides = array<i32>} : memref<100x128xf32, #tpu.memory_space<vmem>>, vector<1x16xf32>,
        %get3A_413 = vector.shape_cast %get3A_412 : vector<1x16xf32> to vector<16xf32>
        %mul3A_414 = arith.constant 8.000000e+00 : f32
        %mul3A_415 = vector.broadcast %mul3A_414 : f32 to vector<16xf32>
        %mul3A_416 = arith.mulf %get3A_413, %mul3A_415 : vector<16xf32>
        %add3A_417 = arith.constant 100 : i32
        %add3A_418 = arith.addi %add3A_417, %add3A_367 : i32
        %swap3A_419 = arith.index_cast %add3A_418 : i32 to index
        %swap3A_420 = arith.constant 48 : index
        %swap3A_421 = tpu.vector_load %arg12[%swap3A_419, %swap3A_420] {strides = array<i32>} : memref<200x64xf32, #tpu.memory_space<vmem>>, vector<1x16xf32>,
        %swap3A_422 = vector.shape_cast %swap3A_421 : vector<1x16xf32> to vector<16xf32>
        %swap3A_423 = vector.shape_cast %mul3A_416 : vector<16xf32> to vector<1x16xf32>
        tpu.vector_store %arg12[%swap3A_419, %swap3A_420], %swap3A_423 {strides = array<i32>} : memref<200x64xf32, #tpu.memory_space<vmem>>, vector<1x16xf32>,
      }
      %scan3A_170 = arith.constant 25 : i32
      %lt3A_171 = arith.constant 63 : i32
      %lt3A_172 = arith.cmpi slt, %scan3A_58, %lt3A_171 : i32
      %convert_element_type3A_173 = arith.extui %lt3A_172 : i1 to i32
      %cond3A_174 = arith.constant 0 : i32
      %cond3A_175 = arith.cmpi ne, %convert_element_type3A_173, %cond3A_174 : i32
      scf.if %cond3A_175 {
        %add3A_185 = arith.constant 1 : i32
        %add3A_186 = arith.addi %scan3A_58, %add3A_185 : i32
        %mul3A_187 = arith.constant 4 : i32
        %mul3A_188 = arith.muli %mul3A_187, %add3A_186 : i32
        %add3A_189 = arith.constant 3 : i32
        %add3A_190 = arith.addi %mul3A_188, %add3A_189 : i32
        %jit3A_191 = arith.constant 64 : i32
        %div3A = arith.divsi %add3A_190, %jit3A_191 : i32
        %sign3A = arith.constant 0 : i32
        %sign3A_192 = arith.cmpi sgt, %add3A_190, %sign3A : i32
        %sign3A_193 = arith.extui %sign3A_192 : i1 to i32
        %sign3A_194 = arith.constant 0 : i32
        %sign3A_195 = arith.cmpi slt, %add3A_190, %sign3A_194 : i32
        %sign3A_196 = arith.extui %sign3A_195 : i1 to i32
        %sign3A_197 = arith.subi %sign3A_193, %sign3A_196 : i32
        %sign3A_198 = arith.constant 0 : i32
        %sign3A_199 = arith.cmpi sgt, %jit3A_191, %sign3A_198 : i32
        %sign3A_200 = arith.extui %sign3A_199 : i1 to i32
        %sign3A_201 = arith.constant 0 : i32
        %sign3A_202 = arith.cmpi slt, %jit3A_191, %sign3A_201 : i32
        %sign3A_203 = arith.extui %sign3A_202 : i1 to i32
        %sign3A_204 = arith.subi %sign3A_200, %sign3A_203 : i32
        %ne3A_205 = arith.cmpi ne, %sign3A_197, %sign3A_204 : i32
        %rem3A_206 = arith.remsi %add3A_190, %jit3A_191 : i32
        %ne3A_207 = arith.constant 0 : i32
        %ne3A_208 = arith.cmpi ne, %rem3A_206, %ne3A_207 : i32
        %and3A_209 = arith.andi %ne3A_205, %ne3A_208 : i1
        %sub3A = arith.constant 1 : i32
        %sub3A_210 = arith.subi %div3A, %sub3A : i32
        %select_n3A_211 = arith.select %and3A_209, %sub3A_210, %div3A : i32
        %jit3A_212 = arith.constant 2 : i32
        %eq3A_213 = arith.constant 0 : i32
        %eq3A_214 = arith.cmpi eq, %jit3A_212, %eq3A_213 : i32
        %jit3A_215 = arith.constant 1 : i32
        %select_n3A_216 = arith.select %eq3A_214, %jit3A_215, %jit3A_212 : i32
        %rem3A_217 = arith.remsi %select_n3A_211, %select_n3A_216 : i32
        %ne3A_218 = arith.constant 0 : i32
        %ne3A_219 = arith.cmpi ne, %rem3A_217, %ne3A_218 : i32
        %lt3A_220 = arith.constant 0 : i32
        %lt3A_221 = arith.cmpi slt, %rem3A_217, %lt3A_220 : i32
        %lt3A_222 = arith.constant 0 : i32
        %lt3A_223 = arith.cmpi slt, %select_n3A_216, %lt3A_222 : i32
        %ne3A_224 = arith.xori %lt3A_221, %lt3A_223 : i1
        %and3A_225 = arith.andi %ne3A_224, %ne3A_219 : i1
        %add3A_226 = arith.addi %rem3A_217, %select_n3A_216 : i32
        %select_n3A_227 = arith.select %and3A_225, %add3A_226, %rem3A_217 : i32
        %eq3A_228 = arith.constant 0 : i32
        %eq3A_229 = arith.cmpi eq, %select_n3A_227, %eq3A_228 : i32
        %convert_element_type3A_230 = arith.extui %eq3A_229 : i1 to i32
        %cond3A_231 = arith.constant 0 : i32
        %cond3A_232 = arith.cmpi ne, %convert_element_type3A_230, %cond3A_231 : i32
        scf.if %cond3A_232 {
          %jit3A_278 = arith.constant 64 : i32
          %eq3A_279 = arith.constant 0 : i32
          %eq3A_280 = arith.cmpi eq, %jit3A_278, %eq3A_279 : i32
          %jit3A_281 = arith.constant 1 : i32
          %select_n3A_282 = arith.select %eq3A_280, %jit3A_281, %jit3A_278 : i32
          %rem3A_283 = arith.remsi %add3A_190, %select_n3A_282 : i32
          %ne3A_284 = arith.constant 0 : i32
          %ne3A_285 = arith.cmpi ne, %rem3A_283, %ne3A_284 : i32
          %lt3A_286 = arith.constant 0 : i32
          %lt3A_287 = arith.cmpi slt, %rem3A_283, %lt3A_286 : i32
          %lt3A_288 = arith.constant 0 : i32
          %lt3A_289 = arith.cmpi slt, %select_n3A_282, %lt3A_288 : i32
          %ne3A_290 = arith.xori %lt3A_287, %lt3A_289 : i1
          %and3A_291 = arith.andi %ne3A_290, %ne3A_285 : i1
          %add3A_292 = arith.addi %rem3A_283, %select_n3A_282 : i32
          %select_n3A_293 = arith.select %and3A_291, %add3A_292, %rem3A_283 : i32
          %dma_start3A_294 = arith.constant 0 : i32
          %dma_start3A_295 = tpu.memref_slice %arg5[%select_n3A_293, %dma_start3A_294] : memref<64x100xi32, #tpu.memory_space<vmem>> -> memref<1x100xi32, #tpu.memory_space<vmem>>
          %dma_start3A_296 = tpu.memref_squeeze %dma_start3A_295 : memref<1x100xi32, #tpu.memory_space<vmem>> -> memref<100xi32, #tpu.memory_space<vmem>>
          %dma_start3A_297 = arith.constant 0 : i32
          %dma_start3A_298 = arith.constant 0 : i32
          %dma_start3A_299 = tpu.memref_slice %arg3[%dma_start3A_297, %dma_start3A_298] : memref<1000000x128xf32, #tpu.memory_space<hbm>> -> memref<1000000x128xf32, #tpu.memory_space<hbm>>
          tpu.enqueue_indirect_dma source(%dma_start3A_299 : memref<1000000x128xf32, #tpu.memory_space<hbm>>) target(%arg10 : memref<100x128xf32, #tpu.memory_space<vmem>>) offsets(%dma_start3A_296 : memref<100xi32, #tpu.memory_space<vmem>>) semaphore(%arg16 : memref<!tpu.dma_semaphore, #tpu.memory_space<semaphore_mem>>)
        } else {
        }
        %jit3A_233 = arith.constant 64 : i32
        %div3A_234 = arith.divsi %add3A_190, %jit3A_233 : i32
        %sign3A_235 = arith.constant 0 : i32
        %sign3A_236 = arith.cmpi sgt, %add3A_190, %sign3A_235 : i32
        %sign3A_237 = arith.extui %sign3A_236 : i1 to i32
        %sign3A_238 = arith.constant 0 : i32
        %sign3A_239 = arith.cmpi slt, %add3A_190, %sign3A_238 : i32
        %sign3A_240 = arith.extui %sign3A_239 : i1 to i32
        %sign3A_241 = arith.subi %sign3A_237, %sign3A_240 : i32
        %sign3A_242 = arith.constant 0 : i32
        %sign3A_243 = arith.cmpi sgt, %jit3A_233, %sign3A_242 : i32
        %sign3A_244 = arith.extui %sign3A_243 : i1 to i32
        %sign3A_245 = arith.constant 0 : i32
        %sign3A_246 = arith.cmpi slt, %jit3A_233, %sign3A_245 : i32
        %sign3A_247 = arith.extui %sign3A_246 : i1 to i32
        %sign3A_248 = arith.subi %sign3A_244, %sign3A_247 : i32
        %ne3A_249 = arith.cmpi ne, %sign3A_241, %sign3A_248 : i32
        %rem3A_250 = arith.remsi %add3A_190, %jit3A_233 : i32
        %ne3A_251 = arith.constant 0 : i32
        %ne3A_252 = arith.cmpi ne, %rem3A_250, %ne3A_251 : i32
        %and3A_253 = arith.andi %ne3A_249, %ne3A_252 : i1
        %sub3A_254 = arith.constant 1 : i32
        %sub3A_255 = arith.subi %div3A_234, %sub3A_254 : i32
        %select_n3A_256 = arith.select %and3A_253, %sub3A_255, %div3A_234 : i32
        %jit3A_257 = arith.constant 2 : i32
        %eq3A_258 = arith.constant 0 : i32
        %eq3A_259 = arith.cmpi eq, %jit3A_257, %eq3A_258 : i32
        %jit3A_260 = arith.constant 1 : i32
        %select_n3A_261 = arith.select %eq3A_259, %jit3A_260, %jit3A_257 : i32
        %rem3A_262 = arith.remsi %select_n3A_256, %select_n3A_261 : i32
        %ne3A_263 = arith.constant 0 : i32
        %ne3A_264 = arith.cmpi ne, %rem3A_262, %ne3A_263 : i32
        %lt3A_265 = arith.constant 0 : i32
        %lt3A_266 = arith.cmpi slt, %rem3A_262, %lt3A_265 : i32
        %lt3A_267 = arith.constant 0 : i32
        %lt3A_268 = arith.cmpi slt, %select_n3A_261, %lt3A_267 : i32
        %ne3A_269 = arith.xori %lt3A_266, %lt3A_268 : i1
        %and3A_270 = arith.andi %ne3A_269, %ne3A_264 : i1
        %add3A_271 = arith.addi %rem3A_262, %select_n3A_261 : i32
        %select_n3A_272 = arith.select %and3A_270, %add3A_271, %rem3A_262 : i32
        %eq3A_273 = arith.constant 1 : i32
        %eq3A_274 = arith.cmpi eq, %select_n3A_272, %eq3A_273 : i32
        %convert_element_type3A_275 = arith.extui %eq3A_274 : i1 to i32
        %cond3A_276 = arith.constant 0 : i32
        %cond3A_277 = arith.cmpi ne, %convert_element_type3A_275, %cond3A_276 : i32
        scf.if %cond3A_277 {
          %jit3A_278 = arith.constant 64 : i32
          %eq3A_279 = arith.constant 0 : i32
          %eq3A_280 = arith.cmpi eq, %jit3A_278, %eq3A_279 : i32
          %jit3A_281 = arith.constant 1 : i32
          %select_n3A_282 = arith.select %eq3A_280, %jit3A_281, %jit3A_278 : i32
          %rem3A_283 = arith.remsi %add3A_190, %select_n3A_282 : i32
          %ne3A_284 = arith.constant 0 : i32
          %ne3A_285 = arith.cmpi ne, %rem3A_283, %ne3A_284 : i32
          %lt3A_286 = arith.constant 0 : i32
          %lt3A_287 = arith.cmpi slt, %rem3A_283, %lt3A_286 : i32
          %lt3A_288 = arith.constant 0 : i32
          %lt3A_289 = arith.cmpi slt, %select_n3A_282, %lt3A_288 : i32
          %ne3A_290 = arith.xori %lt3A_287, %lt3A_289 : i1
          %and3A_291 = arith.andi %ne3A_290, %ne3A_285 : i1
          %add3A_292 = arith.addi %rem3A_283, %select_n3A_282 : i32
          %select_n3A_293 = arith.select %and3A_291, %add3A_292, %rem3A_283 : i32
          %dma_start3A_294 = arith.constant 0 : i32
          %dma_start3A_295 = tpu.memref_slice %arg6[%select_n3A_293, %dma_start3A_294] : memref<64x100xi32, #tpu.memory_space<vmem>> -> memref<1x100xi32, #tpu.memory_space<vmem>>
          %dma_start3A_296 = tpu.memref_squeeze %dma_start3A_295 : memref<1x100xi32, #tpu.memory_space<vmem>> -> memref<100xi32, #tpu.memory_space<vmem>>
          %dma_start3A_297 = arith.constant 0 : i32
          %dma_start3A_298 = arith.constant 0 : i32
          %dma_start3A_299 = tpu.memref_slice %arg3[%dma_start3A_297, %dma_start3A_298] : memref<1000000x128xf32, #tpu.memory_space<hbm>> -> memref<1000000x128xf32, #tpu.memory_space<hbm>>
          tpu.enqueue_indirect_dma source(%dma_start3A_299 : memref<1000000x128xf32, #tpu.memory_space<hbm>>) target(%arg10 : memref<100x128xf32, #tpu.memory_space<vmem>>) offsets(%dma_start3A_296 : memref<100xi32, #tpu.memory_space<vmem>>) semaphore(%arg16 : memref<!tpu.dma_semaphore, #tpu.memory_space<semaphore_mem>>)
        } else {
        }
      } else {
      }
      %add3A_176 = arith.addi %mul3A_4, %add3A_134 : i32
      %dma_start3A_177 = arith.constant 0 : i32
      %dma_start3A_178 = arith.constant 0 : i32
      %dma_start3A_179 = tpu.memref_slice %arg4[%add3A_176, %dma_start3A_177, %dma_start3A_178] : memref<4096x200x64xf32, #tpu.memory_space<hbm>> -> memref<1x200x64xf32, #tpu.memory_space<hbm>>
      %dma_start3A_180 = tpu.memref_squeeze %dma_start3A_179 : memref<1x200x64xf32, #tpu.memory_space<hbm>> -> memref<200x64xf32, #tpu.memory_space<hbm>>
      %dma_start3A_181 = arith.constant 0 : i32
      %dma_start3A_182 = arith.constant 0 : i32
      %dma_start3A_183 = tpu.memref_slice %arg4[%add3A_176, %dma_start3A_181, %dma_start3A_182] : memref<4096x200x64xf32, #tpu.memory_space<hbm>> -> memref<1x200x64xf32, #tpu.memory_space<hbm>>
      %dma_start3A_184 = tpu.memref_squeeze %dma_start3A_183 : memref<1x200x64xf32, #tpu.memory_space<hbm>> -> memref<200x64xf32, #tpu.memory_space<hbm>>
      tpu.enqueue_dma source(%arg12 : memref<200x64xf32, #tpu.memory_space<vmem>>) target(%dma_start3A_184 : memref<200x64xf32, #tpu.memory_space<hbm>>) target_semaphore(%arg18 : memref<!tpu.dma_semaphore, #tpu.memory_space<semaphore_mem>>)
    }
    %scan3A_38 = arith.constant 64 : i32
    %add3A_39 = arith.constant 126 : i32
    %add3A_40 = arith.addi %mul3A_4, %add3A_39 : i32
    %dma_wait3A = arith.constant 0 : i32
    %dma_wait3A_41 = arith.constant 0 : i32
    %dma_wait3A_42 = tpu.memref_slice %arg4[%add3A_40, %dma_wait3A, %dma_wait3A_41] : memref<4096x200x64xf32, #tpu.memory_space<hbm>> -> memref<1x200x64xf32, #tpu.memory_space<hbm>>
    %dma_wait3A_43 = tpu.memref_squeeze %dma_wait3A_42 : memref<1x200x64xf32, #tpu.memory_space<hbm>> -> memref<200x64xf32, #tpu.memory_space<hbm>>
    %dma_wait3A_44 = arith.constant 0 : i32
    %dma_wait3A_45 = arith.constant 0 : i32
    %dma_wait3A_46 = tpu.memref_slice %arg4[%add3A_40, %dma_wait3A_44, %dma_wait3A_45] : memref<4096x200x64xf32, #tpu.memory_space<hbm>> -> memref<1x200x64xf32, #tpu.memory_space<hbm>>
    %dma_wait3A_47 = tpu.memref_squeeze %dma_wait3A_46 : memref<1x200x64xf32, #tpu.memory_space<hbm>> -> memref<200x64xf32, #tpu.memory_space<hbm>>
    tpu.wait_dma2 semaphore(%arg17 : memref<!tpu.dma_semaphore, #tpu.memory_space<semaphore_mem>>) src(%arg11 : memref<200x64xf32, #tpu.memory_space<vmem>>) dst(%dma_wait3A_47 : memref<200x64xf32, #tpu.memory_space<hbm>>)
    %add3A_48 = arith.constant 127 : i32
    %add3A_49 = arith.addi %mul3A_4, %add3A_48 : i32
    %dma_wait3A_50 = arith.constant 0 : i32
    %dma_wait3A_51 = arith.constant 0 : i32
    %dma_wait3A_52 = tpu.memref_slice %arg4[%add3A_49, %dma_wait3A_50, %dma_wait3A_51] : memref<4096x200x64xf32, #tpu.memory_space<hbm>> -> memref<1x200x64xf32, #tpu.memory_space<hbm>>
    %dma_wait3A_53 = tpu.memref_squeeze %dma_wait3A_52 : memref<1x200x64xf32, #tpu.memory_space<hbm>> -> memref<200x64xf32, #tpu.memory_space<hbm>>
    %dma_wait3A_54 = arith.constant 0 : i32
    %dma_wait3A_55 = arith.constant 0 : i32
    %dma_wait3A_56 = tpu.memref_slice %arg4[%add3A_49, %dma_wait3A_54, %dma_wait3A_55] : memref<4096x200x64xf32, #tpu.memory_space<hbm>> -> memref<1x200x64xf32, #tpu.memory_space<hbm>>
    %dma_wait3A_57 = tpu.memref_squeeze %dma_wait3A_56 : memref<1x200x64xf32, #tpu.memory_space<hbm>> -> memref<200x64xf32, #tpu.memory_space<hbm>>
    tpu.wait_dma2 semaphore(%arg18 : memref<!tpu.dma_semaphore, #tpu.memory_space<semaphore_mem>>) src(%arg12 : memref<200x64xf32, #tpu.memory_space<vmem>>) dst(%dma_wait3A_57 : memref<200x64xf32, #tpu.memory_space<hbm>>)
    return
  }
}

</mosaic_0001>

<sc_bundles>
// kernel: kernel.3.cloned.1.call-start
scs
__scs_entry_jumppad:
0x0: {  	(pc) =	sbr.rel $0x88, $3  }
0x1: {  	(tag) =	ssettag $0x0;
	lr =	simm.s32 $0x1  }
0x2: {  	[smem:$0x3F9F] =	sst lr;
	_ =	strace $0xD0000000  }
0x3: {  	_ = 	snop  }
0x4: {  	_ = 	snop  }
0x5: {  	_ = 	snop  }
0x6: {  	_ = 	snop  }
0x7: {  	_ = 	snop  }
__scs_overlays_trampoline_lowered:
0x8: {  	[smem:$0x3FAE] =	sst s0  }
0x9: {  	[smem:$0x3FAF] =	sst s1  }
0xa: {  	[smem:$0x3FB0] =	sst s2  }
0xb: {  	[smem:$0x3FB1] =	sst s3  }
0xc: {  	[smem:$0x3FB2] =	sst s4  }
0xd: {  	[smem:$0x3FB3] =	sst s5  }
0xe: {  	[smem:$0x3FB4] =	sst s6  }
0xf: {  	[smem:$0x3FB5] =	sst s7  }
0x10: {  	[smem:$0x3FB6] =	sst s8  }
0x11: {  	[smem:$0x3FB7] =	sst s9;
	s0 =	simm.s32 @!p0 $0x0  }
0x12: {  	s1 =	sld [smem:$0x3F9D];
	s0 =	simm.s32 @p0 $0x1  }
0x13: {  	[smem:$0x3FB8] =	sst s0;
	s0 =	simm.s32 @!p1 $0x0  }
0x14: {  	s2 =	sld [smem:$0x3F9C];
	s0 =	simm.s32 @p1 $0x1  }
0x15: {  	[smem:$0x3FB9] =	sst s0;
	s0 =	simm.s32 @!p2 $0x0  }
0x16: {  	s3 =	sld [smem:$0x3FDB];
	s0 =	simm.s32 @p2 $0x1  }
0x17: {  	s4 =	simm.s32 $0x1BF5;
	[smem:$0x3FBB] =	sst s0  }
0x18: {  	s0 =	sld [smem:$0x3F9E];
	_ =	swait.ge [sflag:s4], $0x0  }
0x19: {  	s7 =	sld [smem:$0x3F9F]  }
0x1a: {  	s8 =	sadd.s32 $0xFFFFE003, lr  }
0x1b: {  	s9 =	sadd.s32 $0xFFFFFEF7, lr;
	s5 =	simm.s32 $0xFFFFFFFF;
	p2 =	slt.u32 s8, $0xFFFFF086  }
0x1c: {  	p1 =	slt.u32 s9, $0xF7A;
	s5 =	simm.s32 @!p2 $0x0  }
0x1d: {  	s5 =	simm.s32 @p1 $0x1;
	p0 =	seq.s32 s7, s2  }
0x1e: {  	s7 =	smul.u32 @!p0 $0xF7A, s2;
	p2 =	seq.s32 @!p0 s5, $0x0  }
0x1f: {  	s9 =	smul.u32 $0xF7A, s1;
	s8 =	simm.s32 @!p0 $0x1BF5;
	p2 =	por !p2, p0  }
0x20: {  	[sflag:s8] =	ssyncset.s32 @!p0 $0xFFFFF086;
	s6 =	sadd.s32 @!p0 s3, s7;
	s7 =	simm.s32 @!p0 $0x108  }
0x21: {  	s3 =	sadd.s32 s3, s9;
	s6 =	sadd.s32 @!p0 $0x88, s6;
	s7 =	simm.s32 @p2 $0x1082  }
0x22: {  	[simem:s7], [sflag:s8] =	dma.local @!p0 [hbm:s6], $0xF7A  }
0x23: {  	s9 =	sor.u32 $0xD0000000, s2;
	s6 =	simm.s32 $0x108;
	_ =	swait.ge @!p0 [sflag:s8], $0x0  }
0x24: {  	s3 =	sadd.s32 $0x88, s3;
	s6 =	simm.s32 @!p1 $0x1082;
	[sflag:s4] =	ssyncset.s32 $0xFFFFF086  }
0x25: {  	[simem:s6], [sflag:s4] =	dma.local [hbm:s3], $0xF7A  }
0x26: {  	[smem:$0x3F9F] =	sst s1;
	(tag) =	ssettag s2;
	_ =	strace s9  }
0x27: {  	s1 =	sld [smem:$0x3FAF]  }
0x28: {  	s2 =	sld [smem:$0x3FB0]  }
0x29: {  	s4 =	sld [smem:$0x3FB2]  }
0x2a: {  	p0 =	seq.s32 s5, $0x0;
	s5 =	sld [smem:$0x3FB3]  }
0x2b: {  	s6 =	sld [smem:$0x3FB4]  }
0x2c: {  	s7 =	sld [smem:$0x3FB5]  }
0x2d: {  	s3 =	simm.s32 $0x108;
	s8 =	sld [smem:$0x3FB6]  }
0x2e: {  	s3 =	simm.s32 @!p0 $0x1082;
	s9 =	sld [smem:$0x3FB7]  }
0x2f: {  	lr =	sadd.s32 s0, s3;
	s0 =	sld [smem:$0x3FAE]  }
0x30: {  	s3 =	sld [smem:$0x3FB1]  }
0x31: {  	[smem:$0x3FBA] =	sst s10  }
0x32: {  	s10 =	sld [smem:$0x3FB8];
	_ =	sdelay $0x3  }
0x33: {  	p0 =	seq.s32 s10, $0x1;
	s10 =	sld [smem:$0x3FBA];
	_ =	sdelay $0x3  }
0x34: {  	[smem:$0x3FBA] =	sst s10  }
0x35: {  	s10 =	sld [smem:$0x3FB9];
	_ =	sdelay $0x3  }
0x36: {  	p1 =	seq.s32 s10, $0x1;
	s10 =	sld [smem:$0x3FBA];
	_ =	sdelay $0x3  }
0x37: {  	[smem:$0x3FBA] =	sst s10  }
0x38: {  	s10 =	sld [smem:$0x3FBB]  }
0x39: {  	_ = 	snop;
	(pc) =	sbr.ind lr, $3  }
0x3a: {  	_ = 	snop  }
0x3b: {  	_ = 	snop  }
0x3c: {  	p2 =	seq.s32 s10, $0x1;
	s10 =	sld [smem:$0x3FBA]  }
0x3d: {  	_ =	shalt  }
0x3e: {  	_ =	shalt  }
0x3f: {  	_ =	shalt  }
0x40: {  	_ =	shalt  }
0x41: {  	_ =	shalt  }
0x42: {  	_ =	shalt  }
0x43: {  	_ =	shalt  }
0x44: {  	_ =	shalt  }
0x45: {  	_ =	shalt  }
0x46: {  	_ =	shalt  }
0x47: {  	_ =	shalt  }
0x48: {  	_ =	shalt  }
0x49: {  	_ =	shalt  }
0x4a: {  	_ =	shalt  }
0x4b: {  	_ =	shalt  }
0x4c: {  	_ =	shalt  }
0x4d: {  	_ =	shalt  }
0x4e: {  	_ =	shalt  }
0x4f: {  	_ =	shalt  }
0x50: {  	_ =	shalt  }
0x51: {  	_ =	shalt  }
0x52: {  	_ =	shalt  }
0x53: {  	_ =	shalt  }
0x54: {  	_ =	shalt  }
0x55: {  	_ =	shalt  }
0x56: {  	_ =	shalt  }
0x57: {  	_ =	shalt  }
0x58: {  	_ =	shalt  }
0x59: {  	_ =	shalt  }
0x5a: {  	_ =	shalt  }
0x5b: {  	_ =	shalt  }
0x5c: {  	_ =	shalt  }
0x5d: {  	_ =	shalt  }
0x5e: {  	_ =	shalt  }
0x5f: {  	_ =	shalt  }
0x60: {  	_ =	shalt  }
0x61: {  	_ =	shalt  }
0x62: {  	_ =	shalt  }
0x63: {  	_ =	shalt  }
0x64: {  	_ =	shalt  }
0x65: {  	_ =	shalt  }
0x66: {  	_ =	shalt  }
0x67: {  	_ =	shalt  }
0x68: {  	_ =	shalt  }
0x69: {  	_ =	shalt  }
0x6a: {  	_ =	shalt  }
0x6b: {  	_ =	shalt  }
0x6c: {  	_ =	shalt  }
0x6d: {  	_ =	shalt  }
0x6e: {  	_ =	shalt  }
0x6f: {  	_ =	shalt  }
0x70: {  	_ =	shalt  }
0x71: {  	_ =	shalt  }
0x72: {  	_ =	shalt  }
0x73: {  	_ =	shalt  }
0x74: {  	_ =	shalt  }
0x75: {  	_ =	shalt  }
0x76: {  	_ =	shalt  }
0x77: {  	_ =	shalt  }
0x78: {  	_ =	shalt  }
0x79: {  	_ =	shalt  }
0x7a: {  	_ =	shalt  }
0x7b: {  	_ =	shalt  }
0x7c: {  	_ =	shalt  }
0x7d: {  	_ =	shalt  }
0x7e: {  	_ =	shalt  }
0x7f: {  	_ =	shalt  }
0x80: {  	_ =	shalt  }
0x81: {  	_ =	shalt  }
0x82: {  	_ =	shalt  }
0x83: {  	_ =	shalt  }
0x84: {  	_ =	shalt  }
0x85: {  	_ =	shalt  }
0x86: {  	_ =	shalt  }
0x87: {  	_ =	shalt  }
.Lfunc_end0:
.L_simem_size_0:
called_computation_lowered:
.L_overlay_start_0:
0x88: {  	s2 =	sld [smem:$0x3FD9]  }
0x89: {  	s3 =	sld [smem:$0x3FFE];
	_ =	sdelay $0x1  }
0x8a: {  	s1 =	srdreg.scid  }
0x8b: {  	s0 =	sand.u32 $0x1, s1  }
0x8c: {  	s17 =	sshll.u32 s0, $0xA;
	s2 =	sadd.s32 s3, s2  }
0x8d: {  	s2 =	sadd.s32 s2, s17  }
0x8e: {  	[smem:$0x3FC6] =	sst s2  }
0x8f: {  	_ = 	snop  }
0x90: {  	s2 =	sld [smem:$0x3FD0];
	(tm) =	ssettm $0x1  }
0x91: {  	s18 =	sld [smem:$0x3FFB];
	_ =	sdelay $0x3  }
0x92: {  	_ =	strace s18  }
0x93: {  	s3 =	sld [smem:$0x3FFC];
	_ =	sdelay $0x3  }
0x94: {  	_ =	strace s3  }
0x95: {  	s3 =	sld [smem:$0x3FFD];
	_ =	sdelay $0x3  }
0x96: {  	_ =	strace s3  }
0x97: {  	_ =	strace $0x8FFFFFFF  }
0x98: {  	s19 =	sld [smem:$0x3FDB];
	_ =	sdelay $0x1  }
0x99: {  	s4 =	simm.s32 $_scs_section_size  }
0x9a: {  	s5 =	simm.s32 $_size__tile_overlayer_lowered;
	s6 =	simm.s32 $_tile_overlayer_lowered  }
0x9b: {  	s22 =	simm.s32 $0x1BFF;
	s21 =	sshll.u32 s6, $0x1;
	s3 =	sadd.s32 s4, s19  }
0x9c: {  	s7 =	simm.s32 $0x0;
	s20 =	sshll.u32 s5, $0x1;
	s5 =	sadd.s32 s21, s3  }
0x9d: {  	[timem:s7], [sflag:s22] =	dma.local [hbm:s5], s20  }
0x9e: {  	_ =	swait.ge [sflag:s22], s20  }
0x9f: {  	s4 =	ssub.s32 $0x0, s20;
	[sflag:s22] =	ssyncset.done $0x0  }
0xa0: {  	[sflag:s22] =	ssyncadd.s32 s4;
	_ =	sdelay $0x1  }
0xa1: {  	s23 =	simm.s32 $0x1B8B  }
0xa2: {  	_ =	swait.ge [sflag:s23], $0x1  }
0xa3: {  	[sflag:s23] =	ssyncset.done $0x0  }
0xa4: {  	s25 =	simm.s32 $0x1B8E;
	s24 =	sld [smem:$0x3FFE];
	[sflag:s23] =	ssyncadd.s32 $0xFFFFFFFF  }
0xa5: {  	s26 =	simm.s32 $execute0_lowered;
	[smem:$0x3FD2] =	sst s25  }
0xa6: {  	s5 =	sshll.u32 s26, $0x1;
	_ =	strace $0x80000046;
	[dreg:$0x1] =	wrdreg $0xFFFFFFFF  }
0xa7: {  	s28 =	simm.s32 $_size_execute0_lowered;
	s3 =	sadd.s32 s3, s5;
	[dreg:$0x0] =	wrdreg $0x0  }
0xa8: {  	s5 =	sshll.u32 s28, $0x1;
	[dreg:$0x2] =	wrdreg s3  }
0xa9: {  	[dreg:$0x3] =	wrdreg s5  }
0xaa: {  	[dreg:$0x4] =	wrdreg $0xC0  }
0xab: {  	_ =	task [dreg:s7], $0x5FFFF  }
0xac: {  	[dreg:$0x1] =	wrdreg $0xFFFFFFFF  }
0xad: {  	[dreg:$0x0] =	wrdreg $0x60  }
0xae: {  	[dreg:$0x2] =	wrdreg s2  }
0xaf: {  	[dreg:$0x3] =	wrdreg s24  }
0xb0: {  	[dreg:$0x4] =	wrdreg $0x9  }
0xb1: {  	_ =	task.clear_ibuf [dreg:s7], $0x5FFFF;
	_ =	strace $0x90000046  }
0xb2: {  	s29 =	simm.s32 $0x9;
	_ =	strace $0x80000048  }
0xb3: {  	_ =	swait.ge [sflag:s29], $0x1  }
0xb4: {  	[sflag:s29] =	ssyncadd.s32 $0xFFFFFFFF  }
0xb5: {  	_ =	strace $0x90000048  }
0xb6: {  	_ =	sfence  }
0xb7: {  	s30 =	sld [smem:$0x0];
	_ =	sdelay $0x2  }
0xb8: {  	s31 =	sshll.u32 s1, $0xD;
	s1 =	sshrl.u32 s1, $0x2  }
0xb9: {  	s3 =	sand.u32 $0x4000, s31;
	s1 =	sadd.s32 s1, s30  }
0xba: {  	s0 =	sor.u32 s3, s0;
	s1 =	sshll.u32 s1, $0x11  }
0xbb: {  	s0 =	sor.u32 s1, s0  }
0xbc: {  	s0 =	sadd.s32 $0x8F2B, s0  }
0xbd: {  	[sflag:s0] =	ssyncadd.remote.s32 $0x1  }
0xbe: {  	_ =	sfence.sel $0xFFFF  }
0xbf: {  	[dreg:$0x0] =	wrdreg $0xFFFFFFFF;
	(pc) =	sbr.abs _section_cstart, $3  }
0xc0: {  	[dreg:$0x1] =	wrdreg $0xFFFFFFFF  }
0xc1: {  	_ =	task.clear_ibuf [dreg:s7], $0x2FFFF;
	_ =	strace $0x9FFFFFFF  }
0xc2: {  	(tm) =	ssettm $0x7FFFFFFF  }
0xc3: {  	_ =	shalt  }
tec
execute0_lowered:
.L_overlay_start_1:
0x0: {  	(tag) =	ssettag $0x1  }
0x1: {  	s0 =	rddreg [dreg:$0x0]  }
0x2: {  	s4 =	rddreg [dreg:$0x1];
	s2 =	simm.s32 $0x0;
	s3 =	srdreg.scid  }
0x3: {  	s1 =	stileid.u32;
	s9 =	simm.s32 $0x64;
	s10 =	simm.s32 $0x4000  }
0x4: {  	s11 =	simm.s32 $0x80;
	s12 =	simm.s32 $0x7400;
	s13 =	simm.s32 $0x100  }
0x5: {  	s14 =	simm.s32 $0xA800;
	s15 =	simm.s32 $0x180;
	s16 =	simm.s32 $0xDC00  }
0x6: {  	s17 =	simm.s32 $0x1;
	s18 =	simm.s32 $0x2;
	s19 =	simm.s32 $0x11000  }
0x7: {  	s20 =	simm.s32 $0x3;
	s21 =	simm.s32 $0x4;
	s22 =	simm.s32 $0x17400  }
0x8: {  	s23 =	simm.s32 $0x5;
	s24 =	simm.s32 $0x6;
	s25 =	simm.s32 $0x0  }
0x9: {  	[smem:$0x7FF] =	sst s2;
	s5 =	sand.u32 $0x1, s3;
	s7 =	sshll.u32 s1, $0x1  }
0xa: {  	s3 =	sadd.s32 $0xF42A00, s4;
	s4 =	sadd.s32 $0x600, s4;
	s6 =	ssub.s32 $0x2, s5  }
0xb: {  	_ =	strace $0x80000047;
	s5 =	sor.u32 s5, s7;
	s8 =	sshrl.u32 s6, $0x1  }
0xc: {  	s31 =	sshll.u32 s5, $0xC;
	s5 =	sshll.u32 s5, $0x7;
	s30 =	ssub.s32 s6, s8  }
0xd: {  	s6 =	sadd.s32 s0, s31;
	s8 =	simm.s32 $0x7;
	s7 =	smax.u32 s30, $0x1  }
.LBB2_1:
0xe: {  	[tilespmem:s2], [sflag:$0x7] =	stream.linear.gather [hbm4b:s6+s2], $0x2000, $0x38;
	[tilespmem:$0x1D800] =	vst v63  }
0xf: {  	_ =	swait.ge [sflag:s8], $0x2000  }
0x10: {  	[sflag:s8] =	ssyncset.done $0x0  }
0x11: {  	[sflag:s8] =	ssyncadd.s32 $0xFFFFE000  }
0x12: {  	[tilespmem:s10], [sflag:$0x1] =	stream.indirect.gather [hbm4b:s3+s9], $0x80, s2, s9, $0xb8;
	[tilespmem:$0x1D800] =	vst v63  }
0x13: {  	_ = 	snop  }
0x14: {  	[tilespmem:s12], [sflag:$0x2] =	stream.indirect.gather [hbm4b:s3+s9], $0x80, s11, s9, $0xb8;
	[tilespmem:$0x1D800] =	vst v63  }
0x15: {  	_ = 	snop  }
0x16: {  	[tilespmem:s14], [sflag:$0x3] =	stream.indirect.gather [hbm4b:s3+s9], $0x80, s13, s9, $0xb8;
	[tilespmem:$0x1D800] =	vst v63  }
0x17: {  	s26 =	simm.s32 $0x0  }
0x18: {  	[tilespmem:s16], [sflag:$0x4] =	stream.indirect.gather [hbm4b:s3+s9], $0x80, s15, s9, $0xb8;
	[tilespmem:$0x1D800] =	vst v63  }
.LBB2_2:
0x19: {  	s0 =	sadd.s32 $0x2, s26  }
0x1a: {  	p0 =	sgt.u32 s26, $0x3D;
	s28 =	sand.u32 $0xF, s0  }
0x1b: {  	p1 =	sne.s32 @!p0 s28, $0x0  }
0x1c: {  	p0 =	por p1, p0  }
0x1d: {  	s28 =	sshll.u32 @!p0 s0, $0x9;
	s0 =	sshll.u32 @!p0 s0, $0x6  }
0x1e: {  	s29 =	simm.s32 @!p0 $0x0;
	s0 =	sadd.s32 @!p0 s0, s6;
	s28 =	sand.u32 @!p0 $0x2000, s28  }
0x1f: {  	[tilespmem:s28], [sflag:$0x7] =	stream.linear.gather @!p0 [hbm4b:s0+s29], $0x2000, $0x38;
	[tilespmem:$0x1D800] =	vst v63  }
0x20: {  	s0 =	simm.s32 @!p0 $0x7  }
0x21: {  	_ =	swait.ge @!p0 [sflag:s0], $0x2000  }
0x22: {  	p1 =	seq.s32 s26, $0x0;
	[sflag:s0] =	ssyncset.done @!p0 $0x0  }
0x23: {  	[sflag:s0] =	ssyncadd.s32 @!p0 $0xFFFFE000;
	s0 =	simm.s32 @!p1 $0x5  }
0x24: {  	_ =	swait.ge @!p1 [sflag:s0], $0x6400  }
0x25: {  	[sflag:s0] =	ssyncset.done @!p1 $0x0  }
0x26: {  	[sflag:s0] =	ssyncadd.s32 @!p1 $0xFFFF9C00  }
0x27: {  	_ =	swait.ge [sflag:s17], $0x3200  }
0x28: {  	[sflag:s17] =	ssyncset.done $0x0  }
0x29: {  	s28 =	simm.s32 $0x0;
	[sflag:s17] =	ssyncadd.s32 $0xFFFFCE00  }
0x2a: {  	v0 =	vld [tilespmem:s28+$0x41B0]  }
0x2b: {  	v1 =	vld [tilespmem:s28+$0x4000]  }
0x2c: {  	v2 =	vld [tilespmem:s28+$0x4010]  }
0x2d: {  	v3 =	vld [tilespmem:s28+$0x4020]  }
0x2e: {  	v6 =	vld [tilespmem:s28+$0x4090]  }
0x2f: {  	v4 =	vld [tilespmem:s28+$0x4030];
	v0 =	vmul.f32 $8.000000000e+00, v0  }
0x30: {  	v5 =	vld [tilespmem:s28+$0x4080];
	v1 =	vmul.f32 $8.000000000e+00, v1  }
0x31: {  	v7 =	vld [tilespmem:s28+$0x40A0];
	[tilespmem:s28+$0x111B0] =	vst v0;
	v0 =	vmul.f32 $8.000000000e+00, v2  }
0x32: {  	v8 =	vld [tilespmem:s28+$0x40B0];
	[tilespmem:s28+$0x11000] =	vst v1;
	v1 =	vmul.f32 $8.000000000e+00, v3  }
0x33: {  	v2 =	vmul.f32 $8.000000000e+00, v6;
	[tilespmem:s28+$0x11010] =	vst v0  }
0x34: {  	v9 =	vld [tilespmem:s28+$0x4100];
	v0 =	vmul.f32 $8.000000000e+00, v4;
	[tilespmem:s28+$0x11020] =	vst v1  }
0x35: {  	v4 =	vld [tilespmem:s28+$0x4110];
	v1 =	vmul.f32 $8.000000000e+00, v5;
	[tilespmem:s28+$0x11090] =	vst v2  }
0x36: {  	v3 =	vmul.f32 $8.000000000e+00, v7;
	[tilespmem:s28+$0x11030] =	vst v0;
	v0 =	vld [tilespmem:s28+$0x4120]  }
0x37: {  	v5 =	vmul.f32 $8.000000000e+00, v8;
	[tilespmem:s28+$0x11080] =	vst v1;
	v1 =	vld [tilespmem:s28+$0x4130]  }
0x38: {  	v2 =	vld [tilespmem:s28+$0x4180];
	[tilespmem:s28+$0x110A0] =	vst v3  }
0x39: {  	v3 =	vld [tilespmem:s28+$0x4190];
	[tilespmem:s28+$0x110B0] =	vst v5;
	v5 =	vmul.f32 $8.000000000e+00, v9  }
0x3a: {  	s30 =	simm.s32 $0x200;
	s31 =	simm.s32 $0x1000;
	s29 =	sshll.u32 s26, $0x1;
	v6 =	vmul.f32 $8.000000000e+00, v4;
	v4 =	vld [tilespmem:s28+$0x41A0]  }
.LBB2_3:
0x3b: {  	p0 =	sne.s32 s31, $0xC000;
	v7 =	vld [tilespmem:s30+$0x41B0];
	[tilespmem:s28+$0x11100] =	vst v5;
	v0 =	vmul.f32 $8.000000000e+00, v0  }
0x3c: {  	v5 =	vld [tilespmem:s30+$0x4000];
	[tilespmem:s28+$0x11110] =	vst v6;
	v1 =	vmul.f32 $8.000000000e+00, v1  }
0x3d: {  	v6 =	vld [tilespmem:s30+$0x4010];
	[tilespmem:s28+$0x11120] =	vst v0;
	v0 =	vmul.f32 $8.000000000e+00, v2  }
0x3e: {  	v2 =	vld [tilespmem:s30+$0x4020];
	[tilespmem:s28+$0x11130] =	vst v1;
	v1 =	vmul.f32 $8.000000000e+00, v3  }
0x3f: {  	v3 =	vld [tilespmem:s30+$0x4030];
	[tilespmem:s28+$0x11180] =	vst v0;
	v0 =	vmul.f32 $8.000000000e+00, v4  }
0x40: {  	v4 =	vld [tilespmem:s30+$0x4080];
	v7 =	vmul.f32 $8.000000000e+00, v7;
	[tilespmem:s28+$0x11190] =	vst v1  }
0x41: {  	v1 =	vmul.f32 $8.000000000e+00, v5;
	v5 =	vld [tilespmem:s30+$0x4090];
	[tilespmem:s28+$0x111A0] =	vst v0;
	s28 =	smov.u32 s30  }
0x42: {  	v0 =	vmul.f32 $8.000000000e+00, v6;
	v6 =	vld [tilespmem:s28+$0x40A0];
	[tilespmem:s28+$0x111B0] =	vst v7  }
0x43: {  	[tilespmem:s28+$0x11000] =	vst v1;
	v1 =	vmul.f32 $8.000000000e+00, v2;
	v2 =	vld [tilespmem:s28+$0x40B0]  }
0x44: {  	[tilespmem:s28+$0x11010] =	vst v0;
	v0 =	vmul.f32 $8.000000000e+00, v3;
	v3 =	vld [tilespmem:s28+$0x4100]  }
0x45: {  	[tilespmem:s28+$0x11020] =	vst v1;
	v1 =	vmul.f32 $8.000000000e+00, v4;
	v4 =	vld [tilespmem:s28+$0x4110]  }
.Ltmp0:
0x46: {  	[tilespmem:s28+$0x11030] =	vst v0;
	v5 =	vmul.f32 $8.000000000e+00, v5;
	v0 =	vld [tilespmem:s28+$0x4120];
	(pc) =	sbr.rel @p0 .LBB2_3-.Ltmp0, $4  }
0x47: {  	[tilespmem:s28+$0x11080] =	vst v1;
	v6 =	vmul.f32 $8.000000000e+00, v6;
	v1 =	vld [tilespmem:s28+$0x4130]  }
0x48: {  	[tilespmem:s28+$0x11090] =	vst v5;
	v7 =	vmul.f32 $8.000000000e+00, v2;
	v2 =	vld [tilespmem:s28+$0x4180]  }
0x49: {  	[tilespmem:s28+$0x110A0] =	vst v6;
	v5 =	vmul.f32 $8.000000000e+00, v3;
	v3 =	vld [tilespmem:s28+$0x4190]  }
0x4a: {  	s30 =	sshra.s32 s31, $0x2;
	s31 =	sadd.s32 $0x800, s31;
	[tilespmem:s28+$0x110B0] =	vst v7;
	v6 =	vmul.f32 $8.000000000e+00, v4;
	v4 =	vld [tilespmem:s28+$0x41A0]  }
0x4b: {  	v7 =	vld [tilespmem:s30+$0x41B0];
	[tilespmem:s28+$0x11100] =	vst v5;
	v0 =	vmul.f32 $8.000000000e+00, v0  }
0x4c: {  	v5 =	vld [tilespmem:s30+$0x4000];
	[tilespmem:s28+$0x11110] =	vst v6;
	v1 =	vmul.f32 $8.000000000e+00, v1  }
0x4d: {  	v6 =	vld [tilespmem:s30+$0x4010];
	[tilespmem:s28+$0x11120] =	vst v0;
	v2 =	vmul.f32 $8.000000000e+00, v2  }
0x4e: {  	v0 =	vld [tilespmem:s30+$0x4020];
	[tilespmem:s28+$0x11130] =	vst v1;
	v3 =	vmul.f32 $8.000000000e+00, v3  }
0x4f: {  	v1 =	vld [tilespmem:s30+$0x4030];
	[tilespmem:s28+$0x11180] =	vst v2;
	v4 =	vmul.f32 $8.000000000e+00, v4  }
0x50: {  	v2 =	vld [tilespmem:s30+$0x4080];
	[tilespmem:s28+$0x11190] =	vst v3;
	v7 =	vmul.f32 $8.000000000e+00, v7  }
0x51: {  	v3 =	vld [tilespmem:s30+$0x4090];
	[tilespmem:s28+$0x111A0] =	vst v4;
	v4 =	vmul.f32 $8.000000000e+00, v5  }
0x52: {  	v5 =	vld [tilespmem:s30+$0x40A0];
	[tilespmem:s30+$0x111B0] =	vst v7;
	v6 =	vmul.f32 $8.000000000e+00, v6  }
0x53: {  	[tilespmem:s30+$0x11000] =	vst v4;
	v4 =	vld [tilespmem:s30+$0x40B0];
	v0 =	vmul.f32 $8.000000000e+00, v0  }
0x54: {  	[tilespmem:s30+$0x11010] =	vst v6;
	v6 =	vld [tilespmem:s30+$0x4100];
	v1 =	vmul.f32 $8.000000000e+00, v1  }
0x55: {  	[tilespmem:s30+$0x11020] =	vst v0;
	v0 =	vld [tilespmem:s30+$0x4110];
	v2 =	vmul.f32 $8.000000000e+00, v2  }
0x56: {  	[tilespmem:s30+$0x11030] =	vst v1;
	v1 =	vld [tilespmem:s30+$0x4120];
	v3 =	vmul.f32 $8.000000000e+00, v3  }
0x57: {  	[tilespmem:s30+$0x11080] =	vst v2;
	v2 =	vld [tilespmem:s30+$0x4130];
	v5 =	vmul.f32 $8.000000000e+00, v5  }
0x58: {  	[tilespmem:s30+$0x11090] =	vst v3;
	v3 =	vld [tilespmem:s30+$0x4180];
	v4 =	vmul.f32 $8.000000000e+00, v4  }
0x59: {  	[tilespmem:s30+$0x110A0] =	vst v5;
	v5 =	vld [tilespmem:s30+$0x4190];
	v6 =	vmul.f32 $8.000000000e+00, v6  }
0x5a: {  	[tilespmem:s30+$0x110B0] =	vst v4;
	v0 =	vmul.f32 $8.000000000e+00, v0;
	v4 =	vld [tilespmem:s30+$0x41A0]  }
0x5b: {  	[tilespmem:s30+$0x11100] =	vst v6;
	v1 =	vmul.f32 $8.000000000e+00, v1  }
0x5c: {  	[tilespmem:s30+$0x11110] =	vst v0;
	v0 =	vmul.f32 $8.000000000e+00, v2  }
0x5d: {  	[tilespmem:s30+$0x11120] =	vst v1;
	v1 =	vmul.f32 $8.000000000e+00, v3  }
0x5e: {  	p0 =	seq.s32 s26, $0x3F;
	[tilespmem:s30+$0x11130] =	vst v0;
	v0 =	vmul.f32 $8.000000000e+00, v5  }
0x5f: {  	s28 =	sshll.u32 @!p0 s26, $0x9;
	[tilespmem:s30+$0x11180] =	vst v1;
	v1 =	vmul.f32 $8.000000000e+00, v4  }
0x60: {  	s0 =	sadd.s32 @!p0 $0x200, s28;
	[tilespmem:s30+$0x11190] =	vst v0  }
0x61: {  	s31 =	simm.s32 @!p0 $0x4000;
	s0 =	sand.u32 @!p0 $0x3E00, s0;
	[tilespmem:s30+$0x111A0] =	vst v1;
	s30 =	simm.s32 @!p0 $0x64  }
0x62: {  	[tilespmem:s31], [sflag:$0x1] =	stream.indirect.gather @!p0 [hbm4b:s3+s30], $0x80, s0, s30, $0xb8;
	[tilespmem:$0x1D800] =	vst v63  }
0x63: {  	_ =	swait.ge [sflag:s18], $0x3200  }
0x64: {  	[sflag:s18] =	ssyncset.done $0x0  }
0x65: {  	s30 =	simm.s32 $0x0;
	[sflag:s18] =	ssyncadd.s32 $0xFFFFCE00  }
0x66: {  	v0 =	vld [tilespmem:s30+$0x75B0]  }
0x67: {  	v1 =	vld [tilespmem:s30+$0x7400]  }
0x68: {  	v2 =	vld [tilespmem:s30+$0x7410]  }
0x69: {  	v3 =	vld [tilespmem:s30+$0x7420]  }
0x6a: {  	v6 =	vld [tilespmem:s30+$0x7490]  }
0x6b: {  	v4 =	vld [tilespmem:s30+$0x7430];
	v0 =	vmul.f32 $8.000000000e+00, v0  }
0x6c: {  	v5 =	vld [tilespmem:s30+$0x7480];
	v1 =	vmul.f32 $8.000000000e+00, v1  }
0x6d: {  	v7 =	vld [tilespmem:s30+$0x74A0];
	[tilespmem:s30+$0x143B0] =	vst v0;
	v0 =	vmul.f32 $8.000000000e+00, v2  }
0x6e: {  	v8 =	vld [tilespmem:s30+$0x74B0];
	[tilespmem:s30+$0x14200] =	vst v1;
	v1 =	vmul.f32 $8.000000000e+00, v3  }
0x6f: {  	v2 =	vmul.f32 $8.000000000e+00, v6;
	[tilespmem:s30+$0x14210] =	vst v0  }
0x70: {  	v9 =	vld [tilespmem:s30+$0x7500];
	v0 =	vmul.f32 $8.000000000e+00, v4;
	[tilespmem:s30+$0x14220] =	vst v1  }
0x71: {  	v4 =	vld [tilespmem:s30+$0x7510];
	v1 =	vmul.f32 $8.000000000e+00, v5;
	[tilespmem:s30+$0x14290] =	vst v2  }
0x72: {  	v3 =	vmul.f32 $8.000000000e+00, v7;
	[tilespmem:s30+$0x14230] =	vst v0;
	v0 =	vld [tilespmem:s30+$0x7520]  }
0x73: {  	v5 =	vmul.f32 $8.000000000e+00, v8;
	[tilespmem:s30+$0x14280] =	vst v1;
	v1 =	vld [tilespmem:s30+$0x7530]  }
0x74: {  	v2 =	vld [tilespmem:s30+$0x7580];
	[tilespmem:s30+$0x142A0] =	vst v3  }
0x75: {  	v3 =	vld [tilespmem:s30+$0x7590];
	[tilespmem:s30+$0x142B0] =	vst v5;
	v5 =	vmul.f32 $8.000000000e+00, v9  }
0x76: {  	s31 =	simm.s32 $0x200;
	s0 =	simm.s32 $0x1000;
	v6 =	vmul.f32 $8.000000000e+00, v4;
	v4 =	vld [tilespmem:s30+$0x75A0]  }
.LBB2_5:
0x77: {  	p2 =	sne.s32 s0, $0xC000;
	v7 =	vld [tilespmem:s31+$0x75B0];
	[tilespmem:s30+$0x14300] =	vst v5;
	v0 =	vmul.f32 $8.000000000e+00, v0  }
0x78: {  	v5 =	vld [tilespmem:s31+$0x7400];
	[tilespmem:s30+$0x14310] =	vst v6;
	v1 =	vmul.f32 $8.000000000e+00, v1  }
0x79: {  	v6 =	vld [tilespmem:s31+$0x7410];
	[tilespmem:s30+$0x14320] =	vst v0;
	v0 =	vmul.f32 $8.000000000e+00, v2  }
0x7a: {  	v2 =	vld [tilespmem:s31+$0x7420];
	[tilespmem:s30+$0x14330] =	vst v1;
	v1 =	vmul.f32 $8.000000000e+00, v3  }
0x7b: {  	v3 =	vld [tilespmem:s31+$0x7430];
	[tilespmem:s30+$0x14380] =	vst v0;
	v0 =	vmul.f32 $8.000000000e+00, v4  }
0x7c: {  	v4 =	vld [tilespmem:s31+$0x7480];
	v7 =	vmul.f32 $8.000000000e+00, v7;
	[tilespmem:s30+$0x14390] =	vst v1  }
0x7d: {  	v1 =	vmul.f32 $8.000000000e+00, v5;
	v5 =	vld [tilespmem:s31+$0x7490];
	[tilespmem:s30+$0x143A0] =	vst v0;
	s30 =	smov.u32 s31  }
0x7e: {  	v0 =	vmul.f32 $8.000000000e+00, v6;
	v6 =	vld [tilespmem:s30+$0x74A0];
	[tilespmem:s30+$0x143B0] =	vst v7  }
0x7f: {  	[tilespmem:s30+$0x14200] =	vst v1;
	v1 =	vmul.f32 $8.000000000e+00, v2;
	v2 =	vld [tilespmem:s30+$0x74B0]  }
0x80: {  	[tilespmem:s30+$0x14210] =	vst v0;
	v0 =	vmul.f32 $8.000000000e+00, v3;
	v3 =	vld [tilespmem:s30+$0x7500]  }
0x81: {  	[tilespmem:s30+$0x14220] =	vst v1;
	v1 =	vmul.f32 $8.000000000e+00, v4;
	v4 =	vld [tilespmem:s30+$0x7510]  }
.Ltmp1:
0x82: {  	[tilespmem:s30+$0x14230] =	vst v0;
	v5 =	vmul.f32 $8.000000000e+00, v5;
	v0 =	vld [tilespmem:s30+$0x7520];
	(pc) =	sbr.rel @p2 .LBB2_5-.Ltmp1, $4  }
0x83: {  	[tilespmem:s30+$0x14280] =	vst v1;
	v6 =	vmul.f32 $8.000000000e+00, v6;
	v1 =	vld [tilespmem:s30+$0x7530]  }
0x84: {  	[tilespmem:s30+$0x14290] =	vst v5;
	v7 =	vmul.f32 $8.000000000e+00, v2;
	v2 =	vld [tilespmem:s30+$0x7580]  }
0x85: {  	[tilespmem:s30+$0x142A0] =	vst v6;
	v5 =	vmul.f32 $8.000000000e+00, v3;
	v3 =	vld [tilespmem:s30+$0x7590]  }
0x86: {  	s31 =	sshra.s32 s0, $0x2;
	s0 =	sadd.s32 $0x800, s0;
	[tilespmem:s30+$0x142B0] =	vst v7;
	v6 =	vmul.f32 $8.000000000e+00, v4;
	v4 =	vld [tilespmem:s30+$0x75A0]  }
0x87: {  	v7 =	vld [tilespmem:s31+$0x75B0];
	[tilespmem:s30+$0x14300] =	vst v5;
	v0 =	vmul.f32 $8.000000000e+00, v0  }
0x88: {  	v5 =	vld [tilespmem:s31+$0x7400];
	[tilespmem:s30+$0x14310] =	vst v6;
	v1 =	vmul.f32 $8.000000000e+00, v1  }
0x89: {  	v6 =	vld [tilespmem:s31+$0x7410];
	[tilespmem:s30+$0x14320] =	vst v0;
	v2 =	vmul.f32 $8.000000000e+00, v2  }
0x8a: {  	v0 =	vld [tilespmem:s31+$0x7420];
	[tilespmem:s30+$0x14330] =	vst v1;
	v3 =	vmul.f32 $8.000000000e+00, v3  }
0x8b: {  	v1 =	vld [tilespmem:s31+$0x7430];
	[tilespmem:s30+$0x14380] =	vst v2;
	v4 =	vmul.f32 $8.000000000e+00, v4  }
0x8c: {  	v2 =	vld [tilespmem:s31+$0x7480];
	[tilespmem:s30+$0x14390] =	vst v3;
	v7 =	vmul.f32 $8.000000000e+00, v7  }
0x8d: {  	v3 =	vld [tilespmem:s31+$0x7490];
	[tilespmem:s30+$0x143A0] =	vst v4;
	v4 =	vmul.f32 $8.000000000e+00, v5  }
0x8e: {  	v5 =	vld [tilespmem:s31+$0x74A0];
	[tilespmem:s31+$0x143B0] =	vst v7;
	v6 =	vmul.f32 $8.000000000e+00, v6  }
0x8f: {  	[tilespmem:s31+$0x14200] =	vst v4;
	v4 =	vld [tilespmem:s31+$0x74B0];
	v0 =	vmul.f32 $8.000000000e+00, v0  }
0x90: {  	[tilespmem:s31+$0x14210] =	vst v6;
	v6 =	vld [tilespmem:s31+$0x7500];
	v1 =	vmul.f32 $8.000000000e+00, v1  }
0x91: {  	[tilespmem:s31+$0x14220] =	vst v0;
	v0 =	vld [tilespmem:s31+$0x7510];
	v2 =	vmul.f32 $8.000000000e+00, v2  }
0x92: {  	[tilespmem:s31+$0x14230] =	vst v1;
	v1 =	vld [tilespmem:s31+$0x7520];
	v3 =	vmul.f32 $8.000000000e+00, v3  }
0x93: {  	[tilespmem:s31+$0x14280] =	vst v2;
	v2 =	vld [tilespmem:s31+$0x7530];
	v5 =	vmul.f32 $8.000000000e+00, v5  }
0x94: {  	[tilespmem:s31+$0x14290] =	vst v3;
	v3 =	vld [tilespmem:s31+$0x7580];
	v4 =	vmul.f32 $8.000000000e+00, v4  }
0x95: {  	[tilespmem:s31+$0x142A0] =	vst v5;
	v5 =	vld [tilespmem:s31+$0x7590];
	v6 =	vmul.f32 $8.000000000e+00, v6  }
0x96: {  	[tilespmem:s31+$0x142B0] =	vst v4;
	v0 =	vmul.f32 $8.000000000e+00, v0;
	v4 =	vld [tilespmem:s31+$0x75A0]  }
0x97: {  	[tilespmem:s31+$0x14300] =	vst v6;
	v1 =	vmul.f32 $8.000000000e+00, v1  }
0x98: {  	[tilespmem:s31+$0x14310] =	vst v0;
	v0 =	vmul.f32 $8.000000000e+00, v2  }
0x99: {  	[tilespmem:s31+$0x14320] =	vst v1;
	v1 =	vmul.f32 $8.000000000e+00, v3  }
0x9a: {  	[tilespmem:s31+$0x14330] =	vst v0;
	v0 =	vmul.f32 $8.000000000e+00, v5  }
0x9b: {  	[tilespmem:s31+$0x14380] =	vst v1;
	v1 =	vmul.f32 $8.000000000e+00, v4  }
0x9c: {  	s0 =	sadd.s32 @!p0 $0x280, s28;
	s1 =	simm.s32 @!p0 $0x7400;
	s30 =	sadd.s32 s5, s29;
	[tilespmem:s31+$0x14390] =	vst v0  }
0x9d: {  	s0 =	sand.u32 @!p0 $0x3E80, s0;
	s30 =	smul.u32 $0xC80, s30;
	[tilespmem:s31+$0x143A0] =	vst v1;
	s31 =	simm.s32 @!p0 $0x64  }
0x9e: {  	[tilespmem:s1], [sflag:$0x2] =	stream.indirect.gather @!p0 [hbm4b:s3+s31], $0x80, s0, s31, $0xb8;
	[tilespmem:$0x1D800] =	vst v63  }
0x9f: {  	s1 =	sadd.s32 s4, s30;
	s0 =	simm.s32 @!p1 $0x6  }
0xa0: {  	[hbm4b:s1+s2] =	stream.linear.scatter [tilespmem:s19], [sflag:$0x5], $0x6400, $0x38;
	[tilespmem:$0x1D800] =	vst v63  }
0xa1: {  	_ =	swait.ge @!p1 [sflag:s0], $0x6400  }
0xa2: {  	[sflag:s0] =	ssyncset.done @!p1 $0x0  }
0xa3: {  	[sflag:s0] =	ssyncadd.s32 @!p1 $0xFFFF9C00  }
0xa4: {  	_ =	swait.ge [sflag:s20], $0x3200  }
0xa5: {  	[sflag:s20] =	ssyncset.done $0x0  }
0xa6: {  	s30 =	simm.s32 $0x0;
	[sflag:s20] =	ssyncadd.s32 $0xFFFFCE00  }
0xa7: {  	v0 =	vld [tilespmem:s30+$0xA9B0]  }
0xa8: {  	v1 =	vld [tilespmem:s30+$0xA800]  }
0xa9: {  	v2 =	vld [tilespmem:s30+$0xA810]  }
0xaa: {  	v3 =	vld [tilespmem:s30+$0xA820]  }
0xab: {  	v6 =	vld [tilespmem:s30+$0xA890]  }
0xac: {  	v4 =	vld [tilespmem:s30+$0xA830];
	v0 =	vmul.f32 $8.000000000e+00, v0  }
0xad: {  	v5 =	vld [tilespmem:s30+$0xA880];
	v1 =	vmul.f32 $8.000000000e+00, v1  }
0xae: {  	v7 =	vld [tilespmem:s30+$0xA8A0];
	[tilespmem:s30+$0x175B0] =	vst v0;
	v0 =	vmul.f32 $8.000000000e+00, v2  }
0xaf: {  	v8 =	vld [tilespmem:s30+$0xA8B0];
	[tilespmem:s30+$0x17400] =	vst v1;
	v1 =	vmul.f32 $8.000000000e+00, v3  }
0xb0: {  	v2 =	vmul.f32 $8.000000000e+00, v6;
	[tilespmem:s30+$0x17410] =	vst v0  }
0xb1: {  	v9 =	vld [tilespmem:s30+$0xA900];
	v0 =	vmul.f32 $8.000000000e+00, v4;
	[tilespmem:s30+$0x17420] =	vst v1  }
0xb2: {  	v4 =	vld [tilespmem:s30+$0xA910];
	v1 =	vmul.f32 $8.000000000e+00, v5;
	[tilespmem:s30+$0x17490] =	vst v2  }
0xb3: {  	v3 =	vmul.f32 $8.000000000e+00, v7;
	[tilespmem:s30+$0x17430] =	vst v0;
	v0 =	vld [tilespmem:s30+$0xA920]  }
0xb4: {  	v5 =	vmul.f32 $8.000000000e+00, v8;
	[tilespmem:s30+$0x17480] =	vst v1;
	v1 =	vld [tilespmem:s30+$0xA930]  }
0xb5: {  	v2 =	vld [tilespmem:s30+$0xA980];
	[tilespmem:s30+$0x174A0] =	vst v3  }
0xb6: {  	v3 =	vld [tilespmem:s30+$0xA990];
	[tilespmem:s30+$0x174B0] =	vst v5;
	v5 =	vmul.f32 $8.000000000e+00, v9  }
0xb7: {  	s29 =	sor.u32 $0x1, s29;
	s31 =	simm.s32 $0x200;
	s0 =	simm.s32 $0x1000;
	v6 =	vmul.f32 $8.000000000e+00, v4;
	v4 =	vld [tilespmem:s30+$0xA9A0]  }
.LBB2_7:
0xb8: {  	p1 =	sne.s32 s0, $0xC000;
	v7 =	vld [tilespmem:s31+$0xA9B0];
	[tilespmem:s30+$0x17500] =	vst v5;
	v0 =	vmul.f32 $8.000000000e+00, v0  }
0xb9: {  	v5 =	vld [tilespmem:s31+$0xA800];
	[tilespmem:s30+$0x17510] =	vst v6;
	v1 =	vmul.f32 $8.000000000e+00, v1  }
0xba: {  	v6 =	vld [tilespmem:s31+$0xA810];
	[tilespmem:s30+$0x17520] =	vst v0;
	v0 =	vmul.f32 $8.000000000e+00, v2  }
0xbb: {  	v2 =	vld [tilespmem:s31+$0xA820];
	[tilespmem:s30+$0x17530] =	vst v1;
	v1 =	vmul.f32 $8.000000000e+00, v3  }
0xbc: {  	v3 =	vld [tilespmem:s31+$0xA830];
	[tilespmem:s30+$0x17580] =	vst v0;
	v0 =	vmul.f32 $8.000000000e+00, v4  }
0xbd: {  	v4 =	vld [tilespmem:s31+$0xA880];
	v7 =	vmul.f32 $8.000000000e+00, v7;
	[tilespmem:s30+$0x17590] =	vst v1  }
0xbe: {  	v1 =	vmul.f32 $8.000000000e+00, v5;
	v5 =	vld [tilespmem:s31+$0xA890];
	[tilespmem:s30+$0x175A0] =	vst v0;
	s30 =	smov.u32 s31  }
0xbf: {  	v0 =	vmul.f32 $8.000000000e+00, v6;
	v6 =	vld [tilespmem:s30+$0xA8A0];
	[tilespmem:s30+$0x175B0] =	vst v7  }
0xc0: {  	[tilespmem:s30+$0x17400] =	vst v1;
	v1 =	vmul.f32 $8.000000000e+00, v2;
	v2 =	vld [tilespmem:s30+$0xA8B0]  }
0xc1: {  	[tilespmem:s30+$0x17410] =	vst v0;
	v0 =	vmul.f32 $8.000000000e+00, v3;
	v3 =	vld [tilespmem:s30+$0xA900]  }
0xc2: {  	[tilespmem:s30+$0x17420] =	vst v1;
	v1 =	vmul.f32 $8.000000000e+00, v4;
	v4 =	vld [tilespmem:s30+$0xA910]  }
.Ltmp2:
0xc3: {  	[tilespmem:s30+$0x17430] =	vst v0;
	v5 =	vmul.f32 $8.000000000e+00, v5;
	v0 =	vld [tilespmem:s30+$0xA920];
	(pc) =	sbr.rel @p1 .LBB2_7-.Ltmp2, $4  }
0xc4: {  	[tilespmem:s30+$0x17480] =	vst v1;
	v6 =	vmul.f32 $8.000000000e+00, v6;
	v1 =	vld [tilespmem:s30+$0xA930]  }
0xc5: {  	[tilespmem:s30+$0x17490] =	vst v5;
	v7 =	vmul.f32 $8.000000000e+00, v2;
	v2 =	vld [tilespmem:s30+$0xA980]  }
0xc6: {  	[tilespmem:s30+$0x174A0] =	vst v6;
	v5 =	vmul.f32 $8.000000000e+00, v3;
	v3 =	vld [tilespmem:s30+$0xA990]  }
0xc7: {  	s31 =	sshra.s32 s0, $0x2;
	s0 =	sadd.s32 $0x800, s0;
	[tilespmem:s30+$0x174B0] =	vst v7;
	v6 =	vmul.f32 $8.000000000e+00, v4;
	v4 =	vld [tilespmem:s30+$0xA9A0]  }
0xc8: {  	v7 =	vld [tilespmem:s31+$0xA9B0];
	[tilespmem:s30+$0x17500] =	vst v5;
	v0 =	vmul.f32 $8.000000000e+00, v0  }
0xc9: {  	v5 =	vld [tilespmem:s31+$0xA800];
	[tilespmem:s30+$0x17510] =	vst v6;
	v1 =	vmul.f32 $8.000000000e+00, v1  }
0xca: {  	v6 =	vld [tilespmem:s31+$0xA810];
	[tilespmem:s30+$0x17520] =	vst v0;
	v2 =	vmul.f32 $8.000000000e+00, v2  }
0xcb: {  	v0 =	vld [tilespmem:s31+$0xA820];
	[tilespmem:s30+$0x17530] =	vst v1;
	v3 =	vmul.f32 $8.000000000e+00, v3  }
0xcc: {  	v1 =	vld [tilespmem:s31+$0xA830];
	[tilespmem:s30+$0x17580] =	vst v2;
	v4 =	vmul.f32 $8.000000000e+00, v4  }
0xcd: {  	v2 =	vld [tilespmem:s31+$0xA880];
	[tilespmem:s30+$0x17590] =	vst v3;
	v7 =	vmul.f32 $8.000000000e+00, v7  }
0xce: {  	v3 =	vld [tilespmem:s31+$0xA890];
	[tilespmem:s30+$0x175A0] =	vst v4;
	v4 =	vmul.f32 $8.000000000e+00, v5  }
0xcf: {  	v5 =	vld [tilespmem:s31+$0xA8A0];
	[tilespmem:s31+$0x175B0] =	vst v7;
	v6 =	vmul.f32 $8.000000000e+00, v6  }
0xd0: {  	[tilespmem:s31+$0x17400] =	vst v4;
	v4 =	vld [tilespmem:s31+$0xA8B0];
	v0 =	vmul.f32 $8.000000000e+00, v0  }
0xd1: {  	[tilespmem:s31+$0x17410] =	vst v6;
	v6 =	vld [tilespmem:s31+$0xA900];
	v1 =	vmul.f32 $8.000000000e+00, v1  }
0xd2: {  	[tilespmem:s31+$0x17420] =	vst v0;
	v0 =	vld [tilespmem:s31+$0xA910];
	v2 =	vmul.f32 $8.000000000e+00, v2  }
0xd3: {  	[tilespmem:s31+$0x17430] =	vst v1;
	v1 =	vld [tilespmem:s31+$0xA920];
	v3 =	vmul.f32 $8.000000000e+00, v3  }
0xd4: {  	[tilespmem:s31+$0x17480] =	vst v2;
	v2 =	vld [tilespmem:s31+$0xA930];
	v5 =	vmul.f32 $8.000000000e+00, v5  }
0xd5: {  	[tilespmem:s31+$0x17490] =	vst v3;
	v3 =	vld [tilespmem:s31+$0xA980];
	v4 =	vmul.f32 $8.000000000e+00, v4  }
0xd6: {  	[tilespmem:s31+$0x174A0] =	vst v5;
	v5 =	vld [tilespmem:s31+$0xA990];
	v6 =	vmul.f32 $8.000000000e+00, v6  }
0xd7: {  	[tilespmem:s31+$0x174B0] =	vst v4;
	v0 =	vmul.f32 $8.000000000e+00, v0;
	v4 =	vld [tilespmem:s31+$0xA9A0]  }
0xd8: {  	[tilespmem:s31+$0x17500] =	vst v6;
	v1 =	vmul.f32 $8.000000000e+00, v1  }
0xd9: {  	[tilespmem:s31+$0x17510] =	vst v0;
	v0 =	vmul.f32 $8.000000000e+00, v2  }
0xda: {  	[tilespmem:s31+$0x17520] =	vst v1;
	v1 =	vmul.f32 $8.000000000e+00, v3  }
0xdb: {  	[tilespmem:s31+$0x17530] =	vst v0;
	v0 =	vmul.f32 $8.000000000e+00, v5  }
0xdc: {  	[tilespmem:s31+$0x17580] =	vst v1;
	v1 =	vmul.f32 $8.000000000e+00, v4  }
0xdd: {  	s0 =	sadd.s32 @!p0 $0x300, s28;
	[tilespmem:s31+$0x17590] =	vst v0  }
0xde: {  	s1 =	simm.s32 @!p0 $0x64;
	s0 =	sand.u32 @!p0 $0x3F00, s0;
	s30 =	simm.s32 @!p0 $0xA800;
	[tilespmem:s31+$0x175A0] =	vst v1  }
0xdf: {  	[tilespmem:s30], [sflag:$0x3] =	stream.indirect.gather @!p0 [hbm4b:s3+s1], $0x80, s0, s1, $0xb8;
	[tilespmem:$0x1D800] =	vst v63  }
0xe0: {  	_ =	swait.ge [sflag:s21], $0x3200  }
0xe1: {  	[sflag:s21] =	ssyncset.done $0x0  }
0xe2: {  	s30 =	simm.s32 $0x0;
	[sflag:s21] =	ssyncadd.s32 $0xFFFFCE00  }
0xe3: {  	v0 =	vld [tilespmem:s30+$0xDDB0]  }
0xe4: {  	v1 =	vld [tilespmem:s30+$0xDC00]  }
0xe5: {  	v2 =	vld [tilespmem:s30+$0xDC10]  }
0xe6: {  	v3 =	vld [tilespmem:s30+$0xDC20]  }
0xe7: {  	v6 =	vld [tilespmem:s30+$0xDC90]  }
0xe8: {  	v4 =	vld [tilespmem:s30+$0xDC30];
	v0 =	vmul.f32 $8.000000000e+00, v0  }
0xe9: {  	v5 =	vld [tilespmem:s30+$0xDC80];
	v1 =	vmul.f32 $8.000000000e+00, v1  }
0xea: {  	v7 =	vld [tilespmem:s30+$0xDCA0];
	[tilespmem:s30+$0x1A7B0] =	vst v0;
	v0 =	vmul.f32 $8.000000000e+00, v2  }
0xeb: {  	v8 =	vld [tilespmem:s30+$0xDCB0];
	[tilespmem:s30+$0x1A600] =	vst v1;
	v1 =	vmul.f32 $8.000000000e+00, v3  }
0xec: {  	v2 =	vmul.f32 $8.000000000e+00, v6;
	[tilespmem:s30+$0x1A610] =	vst v0  }
0xed: {  	v9 =	vld [tilespmem:s30+$0xDD00];
	v0 =	vmul.f32 $8.000000000e+00, v4;
	[tilespmem:s30+$0x1A620] =	vst v1  }
0xee: {  	v4 =	vld [tilespmem:s30+$0xDD10];
	v1 =	vmul.f32 $8.000000000e+00, v5;
	[tilespmem:s30+$0x1A690] =	vst v2  }
0xef: {  	v3 =	vmul.f32 $8.000000000e+00, v7;
	[tilespmem:s30+$0x1A630] =	vst v0;
	v0 =	vld [tilespmem:s30+$0xDD20]  }
0xf0: {  	v5 =	vmul.f32 $8.000000000e+00, v8;
	[tilespmem:s30+$0x1A680] =	vst v1;
	v1 =	vld [tilespmem:s30+$0xDD30]  }
0xf1: {  	v2 =	vld [tilespmem:s30+$0xDD80];
	[tilespmem:s30+$0x1A6A0] =	vst v3  }
0xf2: {  	v3 =	vld [tilespmem:s30+$0xDD90];
	[tilespmem:s30+$0x1A6B0] =	vst v5;
	v5 =	vmul.f32 $8.000000000e+00, v9  }
0xf3: {  	s31 =	simm.s32 $0x200;
	s0 =	simm.s32 $0x1000;
	v6 =	vmul.f32 $8.000000000e+00, v4;
	v4 =	vld [tilespmem:s30+$0xDDA0]  }
.LBB2_9:
0xf4: {  	p1 =	sne.s32 s0, $0xC000;
	v7 =	vld [tilespmem:s31+$0xDDB0];
	[tilespmem:s30+$0x1A700] =	vst v5;
	v0 =	vmul.f32 $8.000000000e+00, v0  }
0xf5: {  	v5 =	vld [tilespmem:s31+$0xDC00];
	[tilespmem:s30+$0x1A710] =	vst v6;
	v1 =	vmul.f32 $8.000000000e+00, v1  }
0xf6: {  	v6 =	vld [tilespmem:s31+$0xDC10];
	[tilespmem:s30+$0x1A720] =	vst v0;
	v0 =	vmul.f32 $8.000000000e+00, v2  }
0xf7: {  	v2 =	vld [tilespmem:s31+$0xDC20];
	[tilespmem:s30+$0x1A730] =	vst v1;
	v1 =	vmul.f32 $8.000000000e+00, v3  }
0xf8: {  	v3 =	vld [tilespmem:s31+$0xDC30];
	[tilespmem:s30+$0x1A780] =	vst v0;
	v0 =	vmul.f32 $8.000000000e+00, v4  }
0xf9: {  	v4 =	vld [tilespmem:s31+$0xDC80];
	v7 =	vmul.f32 $8.000000000e+00, v7;
	[tilespmem:s30+$0x1A790] =	vst v1  }
0xfa: {  	v1 =	vmul.f32 $8.000000000e+00, v5;
	v5 =	vld [tilespmem:s31+$0xDC90];
	[tilespmem:s30+$0x1A7A0] =	vst v0;
	s30 =	smov.u32 s31  }
0xfb: {  	v0 =	vmul.f32 $8.000000000e+00, v6;
	v6 =	vld [tilespmem:s30+$0xDCA0];
	[tilespmem:s30+$0x1A7B0] =	vst v7  }
0xfc: {  	[tilespmem:s30+$0x1A600] =	vst v1;
	v1 =	vmul.f32 $8.000000000e+00, v2;
	v2 =	vld [tilespmem:s30+$0xDCB0]  }
0xfd: {  	[tilespmem:s30+$0x1A610] =	vst v0;
	v0 =	vmul.f32 $8.000000000e+00, v3;
	v3 =	vld [tilespmem:s30+$0xDD00]  }
0xfe: {  	[tilespmem:s30+$0x1A620] =	vst v1;
	v1 =	vmul.f32 $8.000000000e+00, v4;
	v4 =	vld [tilespmem:s30+$0xDD10]  }
.Ltmp3:
0xff: {  	[tilespmem:s30+$0x1A630] =	vst v0;
	v5 =	vmul.f32 $8.000000000e+00, v5;
	v0 =	vld [tilespmem:s30+$0xDD20];
	(pc) =	sbr.rel @p1 .LBB2_9-.Ltmp3, $4  }
0x100: {  	[tilespmem:s30+$0x1A680] =	vst v1;
	v6 =	vmul.f32 $8.000000000e+00, v6;
	v1 =	vld [tilespmem:s30+$0xDD30]  }
0x101: {  	[tilespmem:s30+$0x1A690] =	vst v5;
	v7 =	vmul.f32 $8.000000000e+00, v2;
	v2 =	vld [tilespmem:s30+$0xDD80]  }
0x102: {  	[tilespmem:s30+$0x1A6A0] =	vst v6;
	v5 =	vmul.f32 $8.000000000e+00, v3;
	v3 =	vld [tilespmem:s30+$0xDD90]  }
0x103: {  	s31 =	sshra.s32 s0, $0x2;
	s0 =	sadd.s32 $0x800, s0;
	[tilespmem:s30+$0x1A6B0] =	vst v7;
	v6 =	vmul.f32 $8.000000000e+00, v4;
	v4 =	vld [tilespmem:s30+$0xDDA0]  }
0x104: {  	v7 =	vld [tilespmem:s31+$0xDDB0];
	[tilespmem:s30+$0x1A700] =	vst v5;
	v0 =	vmul.f32 $8.000000000e+00, v0  }
0x105: {  	v5 =	vld [tilespmem:s31+$0xDC00];
	[tilespmem:s30+$0x1A710] =	vst v6;
	v1 =	vmul.f32 $8.000000000e+00, v1  }
0x106: {  	v6 =	vld [tilespmem:s31+$0xDC10];
	[tilespmem:s30+$0x1A720] =	vst v0;
	v2 =	vmul.f32 $8.000000000e+00, v2  }
0x107: {  	v0 =	vld [tilespmem:s31+$0xDC20];
	[tilespmem:s30+$0x1A730] =	vst v1;
	v3 =	vmul.f32 $8.000000000e+00, v3  }
0x108: {  	v1 =	vld [tilespmem:s31+$0xDC30];
	[tilespmem:s30+$0x1A780] =	vst v2;
	v4 =	vmul.f32 $8.000000000e+00, v4  }
0x109: {  	v2 =	vld [tilespmem:s31+$0xDC80];
	[tilespmem:s30+$0x1A790] =	vst v3;
	v7 =	vmul.f32 $8.000000000e+00, v7  }
0x10a: {  	v3 =	vld [tilespmem:s31+$0xDC90];
	[tilespmem:s30+$0x1A7A0] =	vst v4;
	v50 =	vmul.f32 $8.000000000e+00, v5  }
0x10b: {  	v51 =	vld [tilespmem:s31+$0xDCA0];
	[tilespmem:s31+$0x1A7B0] =	vst v7;
	v6 =	vmul.f32 $8.000000000e+00, v6  }
0x10c: {  	v52 =	vld [tilespmem:s31+$0xDCB0];
	[tilespmem:s31+$0x1A600] =	vst v50;
	v0 =	vmul.f32 $8.000000000e+00, v0  }
0x10d: {  	v53 =	vld [tilespmem:s31+$0xDD00];
	[tilespmem:s31+$0x1A610] =	vst v6;
	v1 =	vmul.f32 $8.000000000e+00, v1  }
0x10e: {  	v54 =	vld [tilespmem:s31+$0xDD10];
	[tilespmem:s31+$0x1A620] =	vst v0;
	v2 =	vmul.f32 $8.000000000e+00, v2  }
0x10f: {  	v55 =	vld [tilespmem:s31+$0xDD20];
	[tilespmem:s31+$0x1A630] =	vst v1;
	v3 =	vmul.f32 $8.000000000e+00, v3  }
0x110: {  	v56 =	vld [tilespmem:s31+$0xDD30];
	[tilespmem:s31+$0x1A680] =	vst v2;
	v5 =	vmul.f32 $8.000000000e+00, v51  }
0x111: {  	v57 =	vld [tilespmem:s31+$0xDD80];
	v4 =	vmul.f32 $8.000000000e+00, v52;
	[tilespmem:s31+$0x1A690] =	vst v3  }
0x112: {  	v58 =	vld [tilespmem:s31+$0xDD90];
	v6 =	vmul.f32 $8.000000000e+00, v53;
	[tilespmem:s31+$0x1A6A0] =	vst v5  }
0x113: {  	v59 =	vld [tilespmem:s31+$0xDDA0];
	v0 =	vmul.f32 $8.000000000e+00, v54;
	[tilespmem:s31+$0x1A6B0] =	vst v4  }
0x114: {  	v1 =	vmul.f32 $8.000000000e+00, v55;
	[tilespmem:s31+$0x1A700] =	vst v6  }
0x115: {  	v60 =	vmul.f32 $8.000000000e+00, v56;
	[tilespmem:s31+$0x1A710] =	vst v0  }
0x116: {  	v61 =	vmul.f32 $8.000000000e+00, v57;
	[tilespmem:s31+$0x1A720] =	vst v1  }
0x117: {  	v62 =	vmul.f32 $8.000000000e+00, v58;
	[tilespmem:s31+$0x1A730] =	vst v60  }
0x118: {  	v63 =	vmul.f32 $8.000000000e+00, v59;
	[tilespmem:s31+$0x1A780] =	vst v61  }
0x119: {  	s0 =	sadd.s32 @!p0 $0x380, s28;
	s1 =	sadd.s32 s5, s29;
	s28 =	simm.s32 @!p0 $0x64;
	[tilespmem:s31+$0x1A790] =	vst v62  }
0x11a: {  	s29 =	simm.s32 @!p0 $0xDC00;
	s26 =	sadd.s32 $0x1, s26;
	s0 =	sand.u32 @!p0 $0x3F80, s0;
	[tilespmem:s31+$0x1A7A0] =	vst v63  }
0x11b: {  	[tilespmem:s29], [sflag:$0x4] =	stream.indirect.gather @!p0 [hbm4b:s3+s28], $0x80, s0, s28, $0xb8;
	[tilespmem:$0x1D800] =	vst v63  }
0x11c: {  	p0 =	sne.s32 s26, $0x40  }
.Ltmp4:
0x11d: {  	_ = 	snop;
	(pc) =	sbr.rel @p0 .LBB2_2-.Ltmp4, $3  }
0x11e: {  	s1 =	smul.u32 $0xC80, s1;
	_ =	sdelay $0x1  }
0x11f: {  	s31 =	sadd.s32 s4, s1  }
0x120: {  	[hbm4b:s31+s2] =	stream.linear.scatter [tilespmem:s22], [sflag:$0x6], $0x6400, $0x38;
	[tilespmem:$0x1D800] =	vst v63  }
0x121: {  	s25 =	sadd.s32 $0x1, s25  }
0x122: {  	_ =	swait.ge [sflag:s23], $0x6400;
	p0 =	sne.s32 s25, s7  }
.Ltmp5:
0x123: {  	[sflag:s23] =	ssyncset.done $0x0;
	(pc) =	sbr.rel @p0 .LBB2_1-.Ltmp5, $4  }
0x124: {  	[sflag:s23] =	ssyncadd.s32 $0xFFFF9C00  }
0x125: {  	_ =	swait.ge [sflag:s24], $0x6400  }
0x126: {  	[sflag:s24] =	ssyncset.done $0x0  }
0x127: {  	[sflag:s24] =	ssyncadd.s32 $0xFFFF9C00  }
0x128: {  	_ =	sfence.sel $0x180000  }
0x129: {  	[bflag:$0x0] =	sbarrier.arrive $0xFFFF  }
0x12a: {  	_ =	strace $0x90000047  }
0x12b: {  	s0 =	stileid.u32;
	[bflag:$0x2] =	sbarrier.arrive $0xFFFF  }
0x12c: {  	p0 =	sne.s32 s0, $0x0;
	s0 =	rddreg [dreg:$0x2]  }
0x12d: {  	s0 =	sadd.s32 @!p0 $0x100000, s0  }
0x12e: {  	[sflag:s0] =	ssyncadd.tile.s32 @!p0 $0x1;
	_ =	shalt  }
.Lfunc_end2:
_tile_overlayer_lowered:
.L_overlay_start_2:
0x12f: {  	(tag) =	ssettag $0x2  }
0x130: {  	s0 =	rddreg [dreg:$0x0];
	s2 =	stileid.u32  }
0x131: {  	s1 =	rddreg [dreg:$0x1];
	p0 =	sne.s32 s2, $0x0  }
0x132: {  	s3 =	rddreg [dreg:$0x2];
	[bflag:$0x3] =	sbarrier.arrive $0xFFFF;
	s2 =	simm.s32 @!p0 $0x1C07  }
0x133: {  	[timem:s3], [sflag:s2] =	dma.local @!p0 [hbm:s0], s1  }
0x134: {  	s0 =	simm.s32 @!p0 $0x7  }
0x135: {  	_ =	swait.ge @!p0 [sflag:s0], s1  }
0x136: {  	s1 =	ssub.s32 @!p0 $0x0, s1;
	[sflag:s0] =	ssyncset.done @!p0 $0x0  }
0x137: {  	[sflag:s0] =	ssyncadd.s32 @!p0 s1  }
0x138: {  	[bflag:$0x3] =	sbarrier.arrive $0xFFFF  }
0x139: {  	_ =	shalt  }

</sc_bundles>
